<compile_context>
chip_gen: v7x
topology: tpu7x:2x2x1
jax: 0.10.2.dev20260603
libtpu: 0.0.44.dev20260713+nightly
codegen_flags: <defaults>
</compile_context>

<pallas_src>
import functools
import numpy as np
import jax
import jax.numpy as jnp
from jax import lax
from jax.experimental import pallas as pl
from jax.experimental.pallas import tpu as pltpu
from jax.experimental.pallas import tpu_sc as plsc

BATCH = 16
HIDDEN = 768
NUM_NODES = 26
MAXP = 8
LANES = 16
NCHUNK = HIDDEN // LANES
LN2 = 0.6931471805599453
SQRT2 = 1.4142135623730951

_PATHS = [
    ([0, 2, 3], [-1, 1, 1]),
    ([0, 2, 3, 5, 6], [-1, 1, -1, 1, 1]),
    ([0, 2, 14, 15, 17, 18], [-1, -1, 1, -1, 1, 1]),
    ([0, 2, 14, 20, 21], [-1, -1, -1, 1, 1]),
    ([0, 2, 3, 5, 8, 9], [-1, 1, -1, -1, 1, 1]),
    ([0, 2, 14, 15], [-1, -1, 1, 1]),
    ([0, 2, 14, 20, 23, 24], [-1, -1, -1, -1, 1, 1]),
    ([0, 2, 3, 5, 8, 11, 12], [-1, 1, -1, -1, -1, 1, 1]),
]

_IDX = np.zeros((BATCH, MAXP), dtype=np.int32)
_SW = np.zeros((BATCH, 2 * LANES), dtype=np.float32)
for _b in range(BATCH):
    _idxs, _signs = _PATHS[_b % len(_PATHS)]
    for _j, (_i, _s) in enumerate(zip(_idxs, _signs)):
        _IDX[_b, _j] = _i
        _SW[_b, _j] = float(_s)
        _SW[_b, LANES + _j] = -1.0 / (BATCH * len(_idxs))

_MESH = plsc.VectorSubcoreMesh(
    core_axis_name="c", subcore_axis_name="s", num_cores=1, num_subcores=16)


_GATHER_DNUMS = lax.GatherDimensionNumbers(
    offset_dims=(), collapsed_slice_dims=(0,), start_index_map=(0,))


def _permute(x, idx):
    return lax.gather(x, idx[:, None], _GATHER_DNUMS, slice_sizes=(1,),
                      mode=lax.GatherScatterMode.PROMISE_IN_BOUNDS)


def _lane_total(x, lane):
    for sh in (8, 4, 2, 1):
        x = x + _permute(x, lane ^ sh)
    return x


def _log_apx(y):
    m = y
    e = jnp.zeros((LANES,), jnp.float32)
    for k in (16, 8, 4, 2, 1):
        scale = float(2 ** k)
        cond = m * scale < 2.0
        m = jnp.where(cond, m * scale, m)
        e = jnp.where(cond, e - float(k), e)
    big = m >= SQRT2
    m = jnp.where(big, m * 0.5, m)
    e = jnp.where(big, e + 1.0, e)
    t = (m - 1.0) / (m + 1.0)
    t2 = t * t
    poly = 1.0 + t2 * (1.0 / 3.0 + t2 * (1.0 / 5.0 + t2 * (1.0 / 7.0 + t2 * (1.0 / 9.0))))
    return e * LN2 + 2.0 * t * poly


@functools.partial(
    pl.kernel,
    out_type=(jax.ShapeDtypeStruct((LANES,), jnp.float32),
              jax.ShapeDtypeStruct((BATCH, LANES), jnp.float32)),
    mesh=_MESH,
    scratch_types=[
        pltpu.VMEM((MAXP,), jnp.int32),
        pltpu.VMEM((HIDDEN,), jnp.float32),
        pltpu.VMEM((MAXP, HIDDEN), jnp.float32),
        pltpu.VMEM((2 * LANES,), jnp.float32),
        pltpu.VMEM((LANES,), jnp.float32),
        pltpu.VMEM((BATCH, LANES), jnp.float32),
        pltpu.SemaphoreType.DMA,
        pltpu.SemaphoreType.DMA,
        pltpu.SemaphoreType.DMA,
        pltpu.SemaphoreType.DMA,
    ],
)
def _sc_kernel(outputs_hbm, table_hbm, idx_hbm, sw_hbm,
               out_hbm, stage_hbm,
               idx_v, h_v, rows_v, sw_v, loss_v, gath_v,
               sem0, sem1, sem2, sem3):
    c = lax.axis_index("c")
    s = lax.axis_index("s")
    lane = jnp.arange(LANES, dtype=jnp.int32)

    @pl.when(c == 0)
    def _compute():
        cp_idx = pltpu.async_copy(idx_hbm.at[s], idx_v, sem0)
        cp_h = pltpu.async_copy(outputs_hbm.at[s, 0], h_v, sem1)
        cp_sw = pltpu.async_copy(sw_hbm.at[s], sw_v, sem2)
        cp_idx.wait()
        cp_rows = pltpu.async_copy(table_hbm.at[idx_v], rows_v, sem3)
        cp_h.wait()
        cp_rows.wait()
        cp_sw.wait()

        def chunk_body(j, accs):
            base = j * (2 * LANES)
            h0 = h_v[pl.ds(base, LANES)]
            h1 = h_v[pl.ds(base + LANES, LANES)]
            return tuple(
                acc + rows_v[n, pl.ds(base, LANES)] * h0
                + rows_v[n, pl.ds(base + LANES, LANES)] * h1
                for n, acc in enumerate(accs))

        accs = lax.fori_loop(
            0, NCHUNK // 2, chunk_body,
            tuple(jnp.zeros((LANES,), jnp.float32) for _ in range(MAXP)))

        scores = jnp.zeros((LANES,), jnp.float32)
        for n in range(MAXP):
            scores = jnp.where(lane == n, _lane_total(accs[n], lane), scores)

        z = sw_v[pl.ds(0, LANES)] * scores
        p = 1.0 / (1.0 + jnp.exp(-z))
        loss_v[...] = sw_v[pl.ds(LANES, LANES)] * _log_apx(p + 1e-7)
        pltpu.sync_copy(loss_v, stage_hbm.at[s])

    plsc.subcore_barrier()

    @pl.when((c == 0) & (s == 0))
    def _reduce():
        pltpu.sync_copy(stage_hbm, gath_v)
        acc = jnp.zeros((LANES,), jnp.float32)
        for b in range(BATCH):
            acc = acc + gath_v[b]
        loss_v[...] = _lane_total(acc, lane)
        pltpu.sync_copy(loss_v, out_hbm)


@jax.jit
def kernel(outputs, table):
    out, _ = _sc_kernel(outputs, table, jnp.asarray(_IDX), jnp.asarray(_SW))
    return out[0]

# --- scband reference (transcript-rebuilt; emitter-appended) ---
"""Pipeline reference for scband-keyword-tree-30837865185557 (READ-ONLY COPY).

The authoritative reference and input builder live on the scoring server;
editing this copy changes nothing except your own understanding.
"""

import jax, jax.numpy as jnp
import numpy as np

KEYWORDS_LIST = [["a"],["a","b"],["b","c"],["c"],["a","c"],["b"],["d"],["a","d"]]
HIDDEN = 768
BATCH = 16
SEQ = 128

class Node:
    def __init__(self, keyword, is_intermediate, covered, is_root=False):
        self.keyword = keyword
        self.is_root = is_root
        self.is_intermediate = is_intermediate
        self.covered = covered
        self.left = None
        self.right = None

def normalize(kws):
    return tuple(sorted(set(kws)))

def find_most_common(documents):
    freq = {}
    for doc in documents:
        if doc is not None:
            for kw in doc:
                freq[kw] = freq.get(kw, 0) + 1
    items = sorted(freq.items(), key=lambda x: x[1], reverse=True)
    return items[0][0] if items else None

def cover(documents):
    mck = find_most_common(documents)
    covered = []; notcov = []; cidx = set(); nidx = set()
    for i, doc in enumerate(documents):
        if doc and mck in doc:
            cidx.add(i)
            covered.append(tuple(k for k in doc if k != mck))
            notcov.append(None)
        else:
            covered.append(None)
            notcov.append(doc)
            if doc:
                nidx.add(i)
    return mck, covered, cidx, notcov, nidx

def make_tree(root, documents):
    nodes = [root]
    if root.is_root or root.keyword is not None:
        all_cov = set(i for i in root.covered if documents[i] is not None and len(documents[i]) == 0)
        root.left = Node(None, False, all_cov)
        nodes.append(root.left)
        if any(documents):
            root.right, rn = make_tree(Node(None, True, root.covered - all_cov), documents)
            nodes += rn
    else:
        mck, covd, cidx, ncd, nidx = cover(documents)
        root.left, ln = make_tree(Node(mck, False, cidx), covd)
        nodes += ln
        if nidx:
            root.right, rn = make_tree(Node(None, True, nidx), ncd)
            nodes += rn
    return root, nodes

DOCS = [normalize(k) for k in KEYWORDS_LIST]
ROOT, NODES = make_tree(Node(None, False, set(range(len(DOCS))), is_root=True), DOCS)

def _node_index(n):
    for i, m in enumerate(NODES):
        if m is n:
            return i
    raise ValueError('node not found')

def compute_path(doc_idx):
    root = ROOT
    idxs = []; signs = []
    while True:
        emb_idx = _node_index(root)
        if root.is_intermediate:
            is_left = doc_idx in root.left.covered
            nxt = root.left if is_left else root.right
            is_end = False
        elif root.right is not None and doc_idx in root.right.covered:
            nxt, is_left, is_end = root.right, False, False
        else:
            nxt, is_left, is_end = root.left, True, True
        idxs.append(emb_idx)
        signs.append(1.0 if is_left else -1.0)
        root = nxt
        if is_end:
            break
    return idxs, signs

PATHS = [compute_path(i) for i in range(len(DOCS))]
BATCH_DOC_IDX = [b % len(DOCS) for b in range(BATCH)]

def setup_inputs(seed: int = 0):
    key = jax.random.key(seed)
    k1, k2 = jax.random.split(key)
    outputs = jax.random.normal(k1, (BATCH, SEQ, HIDDEN), dtype=jnp.float32)
    table = jax.random.normal(k2, (len(NODES), HIDDEN), dtype=jnp.float32)
    return {"outputs": outputs, "table": table}

def reference(outputs, table):
    hidden = outputs[:, 0, :]
    total = 0.0
    for b, di in enumerate(BATCH_DOC_IDX):
        idxs, signs = PATHS[di]
        emb = jnp.take(table, jnp.array(idxs, dtype=jnp.int32), axis=0)
        scores = (emb @ hidden[b]) * jnp.array(signs, dtype=jnp.float32)
        loss = jnp.sum(jnp.log(jax.nn.sigmoid(scores) + 1e-07)) / float(len(idxs))
        total = total + loss
    return -1.0 * total / hidden.shape[0]

if __name__ == "__main__":
    import jax
    _d = setup_inputs()
    print(jax.jit(kernel)(*tuple(_d.values())))

</pallas_src>

<mosaic_0001>
#map = affine_map<(d0, d1) -> (0, 0, 0)>
#map1 = affine_map<(d0, d1) -> (0, 0)>
#map2 = affine_map<(d0, d1) -> (0)>
module attributes {stable_mosaic.version = 14 : i64} {
  func.func @_sc_kernel(%arg0: i32, %arg1: i32, %arg2: memref<16x128x768xf32, #tpu.memory_space<hbm>>, %arg3: memref<26x768xf32, #tpu.memory_space<hbm>>, %arg4: memref<16x8xi32, #tpu.memory_space<hbm>>, %arg5: memref<16x32xf32, #tpu.memory_space<hbm>>, %arg6: memref<16xf32, #tpu.memory_space<hbm>>, %arg7: memref<16x16xf32, #tpu.memory_space<hbm>>, %arg8: memref<8xi32, #tpu.memory_space<vmem>>, %arg9: memref<768xf32, #tpu.memory_space<vmem>>, %arg10: memref<8x768xf32, #tpu.memory_space<vmem>>, %arg11: memref<32xf32, #tpu.memory_space<vmem>>, %arg12: memref<16xf32, #tpu.memory_space<vmem>>, %arg13: memref<16x16xf32, #tpu.memory_space<vmem>>, %arg14: memref<!tpu.dma_semaphore, #tpu.memory_space<semaphore_mem>>, %arg15: memref<!tpu.dma_semaphore, #tpu.memory_space<semaphore_mem>>, %arg16: memref<!tpu.dma_semaphore, #tpu.memory_space<semaphore_mem>>, %arg17: memref<!tpu.dma_semaphore, #tpu.memory_space<semaphore_mem>>) attributes {dimension_semantics = [#tpu.dimension_semantics<core_parallel>, #tpu.dimension_semantics<subcore_parallel>], iteration_bounds = array<i64: 1, 16>, scalar_prefetch = 0 : i64, scratch_operands = 10 : i64, tpu.core_type = #tpu.core_type<sc_vector_subcore>, window_params = [{transform_indices = #map}, {transform_indices = #map1}, {transform_indices = #map1}, {transform_indices = #map1}, {transform_indices = #map2}, {transform_indices = #map1}]} {
    %iota3A = tpu.iota {dimensions = array<i32: 0>} : vector<16xi32>
    %eq3A = arith.constant 0 : i32
    %eq3A_0 = arith.cmpi eq, %arg0, %eq3A : i32
    %convert_element_type3A = arith.extui %eq3A_0 : i1 to i32
    %cond3A = arith.constant 0 : i32
    %cond3A_1 = arith.cmpi ne, %convert_element_type3A, %cond3A : i32
    scf.if %cond3A_1 {
      %dma_start3A = arith.constant 0 : i32
      %dma_start3A_9 = tpu.memref_slice %arg4[%arg1, %dma_start3A] : memref<16x8xi32, #tpu.memory_space<hbm>> -> memref<1x8xi32, #tpu.memory_space<hbm>>
      %dma_start3A_10 = tpu.memref_squeeze %dma_start3A_9 : memref<1x8xi32, #tpu.memory_space<hbm>> -> memref<8xi32, #tpu.memory_space<hbm>>
      %dma_start3A_11 = arith.constant 0 : i32
      %dma_start3A_12 = tpu.memref_slice %arg4[%arg1, %dma_start3A_11] : memref<16x8xi32, #tpu.memory_space<hbm>> -> memref<1x8xi32, #tpu.memory_space<hbm>>
      %dma_start3A_13 = tpu.memref_squeeze %dma_start3A_12 : memref<1x8xi32, #tpu.memory_space<hbm>> -> memref<8xi32, #tpu.memory_space<hbm>>
      tpu.enqueue_dma source(%dma_start3A_13 : memref<8xi32, #tpu.memory_space<hbm>>) target(%arg8 : memref<8xi32, #tpu.memory_space<vmem>>) target_semaphore(%arg14 : memref<!tpu.dma_semaphore, #tpu.memory_space<semaphore_mem>>)
      %dma_start3A_14 = arith.constant 0 : i32
      %dma_start3A_15 = arith.constant 0 : i32
      %dma_start3A_16 = tpu.memref_slice %arg2[%arg1, %dma_start3A_14, %dma_start3A_15] : memref<16x128x768xf32, #tpu.memory_space<hbm>> -> memref<1x1x768xf32, #tpu.memory_space<hbm>>
      %dma_start3A_17 = tpu.memref_squeeze %dma_start3A_16 : memref<1x1x768xf32, #tpu.memory_space<hbm>> -> memref<768xf32, #tpu.memory_space<hbm>>
      %dma_start3A_18 = arith.constant 0 : i32
      %dma_start3A_19 = tpu.memref_slice %arg2[%arg1, %dma_start3A_14, %dma_start3A_18] : memref<16x128x768xf32, #tpu.memory_space<hbm>> -> memref<1x1x768xf32, #tpu.memory_space<hbm>>
      %dma_start3A_20 = tpu.memref_squeeze %dma_start3A_19 : memref<1x1x768xf32, #tpu.memory_space<hbm>> -> memref<768xf32, #tpu.memory_space<hbm>>
      tpu.enqueue_dma source(%dma_start3A_20 : memref<768xf32, #tpu.memory_space<hbm>>) target(%arg9 : memref<768xf32, #tpu.memory_space<vmem>>) target_semaphore(%arg15 : memref<!tpu.dma_semaphore, #tpu.memory_space<semaphore_mem>>)
      %dma_start3A_21 = arith.constant 0 : i32
      %dma_start3A_22 = tpu.memref_slice %arg5[%arg1, %dma_start3A_21] : memref<16x32xf32, #tpu.memory_space<hbm>> -> memref<1x32xf32, #tpu.memory_space<hbm>>
      %dma_start3A_23 = tpu.memref_squeeze %dma_start3A_22 : memref<1x32xf32, #tpu.memory_space<hbm>> -> memref<32xf32, #tpu.memory_space<hbm>>
      %dma_start3A_24 = arith.constant 0 : i32
      %dma_start3A_25 = tpu.memref_slice %arg5[%arg1, %dma_start3A_24] : memref<16x32xf32, #tpu.memory_space<hbm>> -> memref<1x32xf32, #tpu.memory_space<hbm>>
      %dma_start3A_26 = tpu.memref_squeeze %dma_start3A_25 : memref<1x32xf32, #tpu.memory_space<hbm>> -> memref<32xf32, #tpu.memory_space<hbm>>
      tpu.enqueue_dma source(%dma_start3A_26 : memref<32xf32, #tpu.memory_space<hbm>>) target(%arg11 : memref<32xf32, #tpu.memory_space<vmem>>) target_semaphore(%arg16 : memref<!tpu.dma_semaphore, #tpu.memory_space<semaphore_mem>>)
      %dma_wait3A = arith.constant 0 : i32
      %dma_wait3A_27 = tpu.memref_slice %arg4[%arg1, %dma_wait3A] : memref<16x8xi32, #tpu.memory_space<hbm>> -> memref<1x8xi32, #tpu.memory_space<hbm>>
      %dma_wait3A_28 = tpu.memref_squeeze %dma_wait3A_27 : memref<1x8xi32, #tpu.memory_space<hbm>> -> memref<8xi32, #tpu.memory_space<hbm>>
      %dma_wait3A_29 = arith.constant 0 : i32
      %dma_wait3A_30 = tpu.memref_slice %arg4[%arg1, %dma_wait3A_29] : memref<16x8xi32, #tpu.memory_space<hbm>> -> memref<1x8xi32, #tpu.memory_space<hbm>>
      %dma_wait3A_31 = tpu.memref_squeeze %dma_wait3A_30 : memref<1x8xi32, #tpu.memory_space<hbm>> -> memref<8xi32, #tpu.memory_space<hbm>>
      tpu.wait_dma2 semaphore(%arg14 : memref<!tpu.dma_semaphore, #tpu.memory_space<semaphore_mem>>) src(%dma_wait3A_31 : memref<8xi32, #tpu.memory_space<hbm>>) dst(%arg8 : memref<8xi32, #tpu.memory_space<vmem>>)
      %dma_start3A_32 = arith.constant 0 : i32
      %dma_start3A_33 = arith.constant 0 : i32
      %dma_start3A_34 = tpu.memref_slice %arg3[%dma_start3A_32, %dma_start3A_33] : memref<26x768xf32, #tpu.memory_space<hbm>> -> memref<26x768xf32, #tpu.memory_space<hbm>>
      tpu.enqueue_indirect_dma source(%dma_start3A_34 : memref<26x768xf32, #tpu.memory_space<hbm>>) target(%arg10 : memref<8x768xf32, #tpu.memory_space<vmem>>) offsets(%arg8 : memref<8xi32, #tpu.memory_space<vmem>>) semaphore(%arg17 : memref<!tpu.dma_semaphore, #tpu.memory_space<semaphore_mem>>)
      %dma_wait3A_35 = arith.constant 0 : i32
      %dma_wait3A_36 = arith.constant 0 : i32
      %dma_wait3A_37 = tpu.memref_slice %arg2[%arg1, %dma_wait3A_35, %dma_wait3A_36] : memref<16x128x768xf32, #tpu.memory_space<hbm>> -> memref<1x1x768xf32, #tpu.memory_space<hbm>>
      %dma_wait3A_38 = tpu.memref_squeeze %dma_wait3A_37 : memref<1x1x768xf32, #tpu.memory_space<hbm>> -> memref<768xf32, #tpu.memory_space<hbm>>
      %dma_wait3A_39 = arith.constant 0 : i32
      %dma_wait3A_40 = tpu.memref_slice %arg2[%arg1, %dma_wait3A_35, %dma_wait3A_39] : memref<16x128x768xf32, #tpu.memory_space<hbm>> -> memref<1x1x768xf32, #tpu.memory_space<hbm>>
      %dma_wait3A_41 = tpu.memref_squeeze %dma_wait3A_40 : memref<1x1x768xf32, #tpu.memory_space<hbm>> -> memref<768xf32, #tpu.memory_space<hbm>>
      tpu.wait_dma2 semaphore(%arg15 : memref<!tpu.dma_semaphore, #tpu.memory_space<semaphore_mem>>) src(%dma_wait3A_41 : memref<768xf32, #tpu.memory_space<hbm>>) dst(%arg9 : memref<768xf32, #tpu.memory_space<vmem>>)
      %dma_wait3A_42 = arith.constant 0 : i32
      %dma_wait3A_43 = arith.constant 0 : i32
      %dma_wait3A_44 = tpu.memref_slice %arg3[%dma_wait3A_42, %dma_wait3A_43] : memref<26x768xf32, #tpu.memory_space<hbm>> -> memref<26x768xf32, #tpu.memory_space<hbm>>
      tpu.wait_indirect_dma semaphore(%arg17 : memref<!tpu.dma_semaphore, #tpu.memory_space<semaphore_mem>>) src(%dma_wait3A_44 : memref<26x768xf32, #tpu.memory_space<hbm>>) dst(%arg10 : memref<8x768xf32, #tpu.memory_space<vmem>>)
      %dma_wait3A_45 = arith.constant 0 : i32
      %dma_wait3A_46 = tpu.memref_slice %arg5[%arg1, %dma_wait3A_45] : memref<16x32xf32, #tpu.memory_space<hbm>> -> memref<1x32xf32, #tpu.memory_space<hbm>>
      %dma_wait3A_47 = tpu.memref_squeeze %dma_wait3A_46 : memref<1x32xf32, #tpu.memory_space<hbm>> -> memref<32xf32, #tpu.memory_space<hbm>>
      %dma_wait3A_48 = arith.constant 0 : i32
      %dma_wait3A_49 = tpu.memref_slice %arg5[%arg1, %dma_wait3A_48] : memref<16x32xf32, #tpu.memory_space<hbm>> -> memref<1x32xf32, #tpu.memory_space<hbm>>
      %dma_wait3A_50 = tpu.memref_squeeze %dma_wait3A_49 : memref<1x32xf32, #tpu.memory_space<hbm>> -> memref<32xf32, #tpu.memory_space<hbm>>
      tpu.wait_dma2 semaphore(%arg16 : memref<!tpu.dma_semaphore, #tpu.memory_space<semaphore_mem>>) src(%dma_wait3A_50 : memref<32xf32, #tpu.memory_space<hbm>>) dst(%arg11 : memref<32xf32, #tpu.memory_space<vmem>>)
      %broadcast_in_dim3A = arith.constant 0.000000e+00 : f32
      %broadcast_in_dim3A_51 = vector.broadcast %broadcast_in_dim3A : f32 to vector<16xf32>
      %broadcast_in_dim3A_52 = arith.constant 0.000000e+00 : f32
      %broadcast_in_dim3A_53 = vector.broadcast %broadcast_in_dim3A_52 : f32 to vector<16xf32>
      %broadcast_in_dim3A_54 = arith.constant 0.000000e+00 : f32
      %broadcast_in_dim3A_55 = vector.broadcast %broadcast_in_dim3A_54 : f32 to vector<16xf32>
      %broadcast_in_dim3A_56 = arith.constant 0.000000e+00 : f32
      %broadcast_in_dim3A_57 = vector.broadcast %broadcast_in_dim3A_56 : f32 to vector<16xf32>
      %broadcast_in_dim3A_58 = arith.constant 0.000000e+00 : f32
      %broadcast_in_dim3A_59 = vector.broadcast %broadcast_in_dim3A_58 : f32 to vector<16xf32>
      %broadcast_in_dim3A_60 = arith.constant 0.000000e+00 : f32
      %broadcast_in_dim3A_61 = vector.broadcast %broadcast_in_dim3A_60 : f32 to vector<16xf32>
      %broadcast_in_dim3A_62 = arith.constant 0.000000e+00 : f32
      %broadcast_in_dim3A_63 = vector.broadcast %broadcast_in_dim3A_62 : f32 to vector<16xf32>
      %broadcast_in_dim3A_64 = arith.constant 0.000000e+00 : f32
      %broadcast_in_dim3A_65 = vector.broadcast %broadcast_in_dim3A_64 : f32 to vector<16xf32>
      %scan3A = arith.constant 0 : i32
      %scan3A_66 = arith.constant 24 : i32
      %scan3A_67 = arith.addi %scan3A, %scan3A_66 : i32
      %scan3A_68 = arith.constant 1 : i32
      %scan3A_69:8 = scf.for %scan3A_458 = %scan3A to %scan3A_67 step %scan3A_68 iter_args(%scan3A_459 = %broadcast_in_dim3A_51, %scan3A_460 = %broadcast_in_dim3A_53, %scan3A_461 = %broadcast_in_dim3A_55, %scan3A_462 = %broadcast_in_dim3A_57, %scan3A_463 = %broadcast_in_dim3A_59, %scan3A_464 = %broadcast_in_dim3A_61, %scan3A_465 = %broadcast_in_dim3A_63, %scan3A_466 = %broadcast_in_dim3A_65) -> (vector<16xf32>, vector<16xf32>, vector<16xf32>, vector<16xf32>, vector<16xf32>, vector<16xf32>, vector<16xf32>, vector<16xf32>)  : i32 {
        %mul3A_467 = arith.constant 32 : i32
        %mul3A_468 = arith.muli %scan3A_458, %mul3A_467 : i32
        %get3A_469 = arith.index_cast %mul3A_468 : i32 to index
        %get3A_470 = tpu.vector_load %arg9[%get3A_469] {strides = array<i32>} : memref<768xf32, #tpu.memory_space<vmem>>, vector<16xf32>,
        %get3A_471 = vector.shape_cast %get3A_470 : vector<16xf32> to vector<16xf32>
        %add3A_472 = arith.constant 16 : i32
        %add3A_473 = arith.addi %mul3A_468, %add3A_472 : i32
        %get3A_474 = arith.index_cast %add3A_473 : i32 to index
        %get3A_475 = tpu.vector_load %arg9[%get3A_474] {strides = array<i32>} : memref<768xf32, #tpu.memory_space<vmem>>, vector<16xf32>,
        %get3A_476 = vector.shape_cast %get3A_475 : vector<16xf32> to vector<16xf32>
        %get3A_477 = arith.constant 0 : i32
        %get3A_478 = arith.index_cast %get3A_477 : i32 to index
        %get3A_479 = arith.index_cast %mul3A_468 : i32 to index
        %get3A_480 = tpu.vector_load %arg10[%get3A_478, %get3A_479] {strides = array<i32>} : memref<8x768xf32, #tpu.memory_space<vmem>>, vector<1x16xf32>,
        %get3A_481 = vector.shape_cast %get3A_480 : vector<1x16xf32> to vector<16xf32>
        %mul3A_482 = arith.mulf %get3A_481, %get3A_471 : vector<16xf32>
        %add3A_483 = arith.addf %scan3A_459, %mul3A_482 : vector<16xf32>
        %add3A_484 = arith.constant 16 : i32
        %add3A_485 = arith.addi %mul3A_468, %add3A_484 : i32
        %get3A_486 = arith.constant 0 : i32
        %get3A_487 = arith.index_cast %get3A_486 : i32 to index
        %get3A_488 = arith.index_cast %add3A_485 : i32 to index
        %get3A_489 = tpu.vector_load %arg10[%get3A_487, %get3A_488] {strides = array<i32>} : memref<8x768xf32, #tpu.memory_space<vmem>>, vector<1x16xf32>,
        %get3A_490 = vector.shape_cast %get3A_489 : vector<1x16xf32> to vector<16xf32>
        %mul3A_491 = arith.mulf %get3A_490, %get3A_476 : vector<16xf32>
        %add3A_492 = arith.addf %add3A_483, %mul3A_491 : vector<16xf32>
        %get3A_493 = arith.constant 1 : i32
        %get3A_494 = arith.index_cast %get3A_493 : i32 to index
        %get3A_495 = arith.index_cast %mul3A_468 : i32 to index
        %get3A_496 = tpu.vector_load %arg10[%get3A_494, %get3A_495] {strides = array<i32>} : memref<8x768xf32, #tpu.memory_space<vmem>>, vector<1x16xf32>,
        %get3A_497 = vector.shape_cast %get3A_496 : vector<1x16xf32> to vector<16xf32>
        %mul3A_498 = arith.mulf %get3A_497, %get3A_471 : vector<16xf32>
        %add3A_499 = arith.addf %scan3A_460, %mul3A_498 : vector<16xf32>
        %add3A_500 = arith.constant 16 : i32
        %add3A_501 = arith.addi %mul3A_468, %add3A_500 : i32
        %get3A_502 = arith.constant 1 : i32
        %get3A_503 = arith.index_cast %get3A_502 : i32 to index
        %get3A_504 = arith.index_cast %add3A_501 : i32 to index
        %get3A_505 = tpu.vector_load %arg10[%get3A_503, %get3A_504] {strides = array<i32>} : memref<8x768xf32, #tpu.memory_space<vmem>>, vector<1x16xf32>,
        %get3A_506 = vector.shape_cast %get3A_505 : vector<1x16xf32> to vector<16xf32>
        %mul3A_507 = arith.mulf %get3A_506, %get3A_476 : vector<16xf32>
        %add3A_508 = arith.addf %add3A_499, %mul3A_507 : vector<16xf32>
        %get3A_509 = arith.constant 2 : i32
        %get3A_510 = arith.index_cast %get3A_509 : i32 to index
        %get3A_511 = arith.index_cast %mul3A_468 : i32 to index
        %get3A_512 = tpu.vector_load %arg10[%get3A_510, %get3A_511] {strides = array<i32>} : memref<8x768xf32, #tpu.memory_space<vmem>>, vector<1x16xf32>,
        %get3A_513 = vector.shape_cast %get3A_512 : vector<1x16xf32> to vector<16xf32>
        %mul3A_514 = arith.mulf %get3A_513, %get3A_471 : vector<16xf32>
        %add3A_515 = arith.addf %scan3A_461, %mul3A_514 : vector<16xf32>
        %add3A_516 = arith.constant 16 : i32
        %add3A_517 = arith.addi %mul3A_468, %add3A_516 : i32
        %get3A_518 = arith.constant 2 : i32
        %get3A_519 = arith.index_cast %get3A_518 : i32 to index
        %get3A_520 = arith.index_cast %add3A_517 : i32 to index
        %get3A_521 = tpu.vector_load %arg10[%get3A_519, %get3A_520] {strides = array<i32>} : memref<8x768xf32, #tpu.memory_space<vmem>>, vector<1x16xf32>,
        %get3A_522 = vector.shape_cast %get3A_521 : vector<1x16xf32> to vector<16xf32>
        %mul3A_523 = arith.mulf %get3A_522, %get3A_476 : vector<16xf32>
        %add3A_524 = arith.addf %add3A_515, %mul3A_523 : vector<16xf32>
        %get3A_525 = arith.constant 3 : i32
        %get3A_526 = arith.index_cast %get3A_525 : i32 to index
        %get3A_527 = arith.index_cast %mul3A_468 : i32 to index
        %get3A_528 = tpu.vector_load %arg10[%get3A_526, %get3A_527] {strides = array<i32>} : memref<8x768xf32, #tpu.memory_space<vmem>>, vector<1x16xf32>,
        %get3A_529 = vector.shape_cast %get3A_528 : vector<1x16xf32> to vector<16xf32>
        %mul3A_530 = arith.mulf %get3A_529, %get3A_471 : vector<16xf32>
        %add3A_531 = arith.addf %scan3A_462, %mul3A_530 : vector<16xf32>
        %add3A_532 = arith.constant 16 : i32
        %add3A_533 = arith.addi %mul3A_468, %add3A_532 : i32
        %get3A_534 = arith.constant 3 : i32
        %get3A_535 = arith.index_cast %get3A_534 : i32 to index
        %get3A_536 = arith.index_cast %add3A_533 : i32 to index
        %get3A_537 = tpu.vector_load %arg10[%get3A_535, %get3A_536] {strides = array<i32>} : memref<8x768xf32, #tpu.memory_space<vmem>>, vector<1x16xf32>,
        %get3A_538 = vector.shape_cast %get3A_537 : vector<1x16xf32> to vector<16xf32>
        %mul3A_539 = arith.mulf %get3A_538, %get3A_476 : vector<16xf32>
        %add3A_540 = arith.addf %add3A_531, %mul3A_539 : vector<16xf32>
        %get3A_541 = arith.constant 4 : i32
        %get3A_542 = arith.index_cast %get3A_541 : i32 to index
        %get3A_543 = arith.index_cast %mul3A_468 : i32 to index
        %get3A_544 = tpu.vector_load %arg10[%get3A_542, %get3A_543] {strides = array<i32>} : memref<8x768xf32, #tpu.memory_space<vmem>>, vector<1x16xf32>,
        %get3A_545 = vector.shape_cast %get3A_544 : vector<1x16xf32> to vector<16xf32>
        %mul3A_546 = arith.mulf %get3A_545, %get3A_471 : vector<16xf32>
        %add3A_547 = arith.addf %scan3A_463, %mul3A_546 : vector<16xf32>
        %add3A_548 = arith.constant 16 : i32
        %add3A_549 = arith.addi %mul3A_468, %add3A_548 : i32
        %get3A_550 = arith.constant 4 : i32
        %get3A_551 = arith.index_cast %get3A_550 : i32 to index
        %get3A_552 = arith.index_cast %add3A_549 : i32 to index
        %get3A_553 = tpu.vector_load %arg10[%get3A_551, %get3A_552] {strides = array<i32>} : memref<8x768xf32, #tpu.memory_space<vmem>>, vector<1x16xf32>,
        %get3A_554 = vector.shape_cast %get3A_553 : vector<1x16xf32> to vector<16xf32>
        %mul3A_555 = arith.mulf %get3A_554, %get3A_476 : vector<16xf32>
        %add3A_556 = arith.addf %add3A_547, %mul3A_555 : vector<16xf32>
        %get3A_557 = arith.constant 5 : i32
        %get3A_558 = arith.index_cast %get3A_557 : i32 to index
        %get3A_559 = arith.index_cast %mul3A_468 : i32 to index
        %get3A_560 = tpu.vector_load %arg10[%get3A_558, %get3A_559] {strides = array<i32>} : memref<8x768xf32, #tpu.memory_space<vmem>>, vector<1x16xf32>,
        %get3A_561 = vector.shape_cast %get3A_560 : vector<1x16xf32> to vector<16xf32>
        %mul3A_562 = arith.mulf %get3A_561, %get3A_471 : vector<16xf32>
        %add3A_563 = arith.addf %scan3A_464, %mul3A_562 : vector<16xf32>
        %add3A_564 = arith.constant 16 : i32
        %add3A_565 = arith.addi %mul3A_468, %add3A_564 : i32
        %get3A_566 = arith.constant 5 : i32
        %get3A_567 = arith.index_cast %get3A_566 : i32 to index
        %get3A_568 = arith.index_cast %add3A_565 : i32 to index
        %get3A_569 = tpu.vector_load %arg10[%get3A_567, %get3A_568] {strides = array<i32>} : memref<8x768xf32, #tpu.memory_space<vmem>>, vector<1x16xf32>,
        %get3A_570 = vector.shape_cast %get3A_569 : vector<1x16xf32> to vector<16xf32>
        %mul3A_571 = arith.mulf %get3A_570, %get3A_476 : vector<16xf32>
        %add3A_572 = arith.addf %add3A_563, %mul3A_571 : vector<16xf32>
        %get3A_573 = arith.constant 6 : i32
        %get3A_574 = arith.index_cast %get3A_573 : i32 to index
        %get3A_575 = arith.index_cast %mul3A_468 : i32 to index
        %get3A_576 = tpu.vector_load %arg10[%get3A_574, %get3A_575] {strides = array<i32>} : memref<8x768xf32, #tpu.memory_space<vmem>>, vector<1x16xf32>,
        %get3A_577 = vector.shape_cast %get3A_576 : vector<1x16xf32> to vector<16xf32>
        %mul3A_578 = arith.mulf %get3A_577, %get3A_471 : vector<16xf32>
        %add3A_579 = arith.addf %scan3A_465, %mul3A_578 : vector<16xf32>
        %add3A_580 = arith.constant 16 : i32
        %add3A_581 = arith.addi %mul3A_468, %add3A_580 : i32
        %get3A_582 = arith.constant 6 : i32
        %get3A_583 = arith.index_cast %get3A_582 : i32 to index
        %get3A_584 = arith.index_cast %add3A_581 : i32 to index
        %get3A_585 = tpu.vector_load %arg10[%get3A_583, %get3A_584] {strides = array<i32>} : memref<8x768xf32, #tpu.memory_space<vmem>>, vector<1x16xf32>,
        %get3A_586 = vector.shape_cast %get3A_585 : vector<1x16xf32> to vector<16xf32>
        %mul3A_587 = arith.mulf %get3A_586, %get3A_476 : vector<16xf32>
        %add3A_588 = arith.addf %add3A_579, %mul3A_587 : vector<16xf32>
        %get3A_589 = arith.constant 7 : i32
        %get3A_590 = arith.index_cast %get3A_589 : i32 to index
        %get3A_591 = arith.index_cast %mul3A_468 : i32 to index
        %get3A_592 = tpu.vector_load %arg10[%get3A_590, %get3A_591] {strides = array<i32>} : memref<8x768xf32, #tpu.memory_space<vmem>>, vector<1x16xf32>,
        %get3A_593 = vector.shape_cast %get3A_592 : vector<1x16xf32> to vector<16xf32>
        %mul3A_594 = arith.mulf %get3A_593, %get3A_471 : vector<16xf32>
        %add3A_595 = arith.addf %scan3A_466, %mul3A_594 : vector<16xf32>
        %add3A_596 = arith.constant 16 : i32
        %add3A_597 = arith.addi %mul3A_468, %add3A_596 : i32
        %get3A_598 = arith.constant 7 : i32
        %get3A_599 = arith.index_cast %get3A_598 : i32 to index
        %get3A_600 = arith.index_cast %add3A_597 : i32 to index
        %get3A_601 = tpu.vector_load %arg10[%get3A_599, %get3A_600] {strides = array<i32>} : memref<8x768xf32, #tpu.memory_space<vmem>>, vector<1x16xf32>,
        %get3A_602 = vector.shape_cast %get3A_601 : vector<1x16xf32> to vector<16xf32>
        %mul3A_603 = arith.mulf %get3A_602, %get3A_476 : vector<16xf32>
        %add3A_604 = arith.addf %add3A_595, %mul3A_603 : vector<16xf32>
        scf.yield %add3A_492, %add3A_508, %add3A_524, %add3A_540, %add3A_556, %add3A_572, %add3A_588, %add3A_604 : vector<16xf32>, vector<16xf32>, vector<16xf32>, vector<16xf32>, vector<16xf32>, vector<16xf32>, vector<16xf32>, vector<16xf32>
      }
      %scan3A_70 = arith.constant 24 : i32
      %broadcast_in_dim3A_71 = arith.constant 0.000000e+00 : f32
      %broadcast_in_dim3A_72 = vector.broadcast %broadcast_in_dim3A_71 : f32 to vector<16xf32>
      %eq3A_73 = arith.constant 0 : i32
      %eq3A_74 = vector.broadcast %eq3A_73 : i32 to vector<16xi32>
      %eq3A_75 = arith.cmpi eq, %iota3A, %eq3A_74 : vector<16xi32>
      %xor3A = arith.constant 8 : i32
      %xor3A_76 = vector.broadcast %xor3A : i32 to vector<16xi32>
      %xor3A_77 = arith.xori %iota3A, %xor3A_76 : vector<16xi32>
      %broadcast_in_dim3A_78 = vector.shape_cast %xor3A_77 : vector<16xi32> to vector<16x1xi32>
      %gather3A = vector.shape_cast %broadcast_in_dim3A_78 : vector<16x1xi32> to vector<16xi32>
      %gather3A_79 = tpu.dynamic_gather %scan3A_69#0[%gather3A] in [0] : vector<16xf32>, vector<16xi32> -> vector<16xf32>
      %add3A = arith.addf %scan3A_69#0, %gather3A_79 : vector<16xf32>
      %xor3A_80 = arith.constant 4 : i32
      %xor3A_81 = vector.broadcast %xor3A_80 : i32 to vector<16xi32>
      %xor3A_82 = arith.xori %iota3A, %xor3A_81 : vector<16xi32>
      %broadcast_in_dim3A_83 = vector.shape_cast %xor3A_82 : vector<16xi32> to vector<16x1xi32>
      %gather3A_84 = vector.shape_cast %broadcast_in_dim3A_83 : vector<16x1xi32> to vector<16xi32>
      %gather3A_85 = tpu.dynamic_gather %add3A[%gather3A_84] in [0] : vector<16xf32>, vector<16xi32> -> vector<16xf32>
      %add3A_86 = arith.addf %add3A, %gather3A_85 : vector<16xf32>
      %xor3A_87 = arith.constant 2 : i32
      %xor3A_88 = vector.broadcast %xor3A_87 : i32 to vector<16xi32>
      %xor3A_89 = arith.xori %iota3A, %xor3A_88 : vector<16xi32>
      %broadcast_in_dim3A_90 = vector.shape_cast %xor3A_89 : vector<16xi32> to vector<16x1xi32>
      %gather3A_91 = vector.shape_cast %broadcast_in_dim3A_90 : vector<16x1xi32> to vector<16xi32>
      %gather3A_92 = tpu.dynamic_gather %add3A_86[%gather3A_91] in [0] : vector<16xf32>, vector<16xi32> -> vector<16xf32>
      %add3A_93 = arith.addf %add3A_86, %gather3A_92 : vector<16xf32>
      %xor3A_94 = arith.constant 1 : i32
      %xor3A_95 = vector.broadcast %xor3A_94 : i32 to vector<16xi32>
      %xor3A_96 = arith.xori %iota3A, %xor3A_95 : vector<16xi32>
      %broadcast_in_dim3A_97 = vector.shape_cast %xor3A_96 : vector<16xi32> to vector<16x1xi32>
      %gather3A_98 = vector.shape_cast %broadcast_in_dim3A_97 : vector<16x1xi32> to vector<16xi32>
      %gather3A_99 = tpu.dynamic_gather %add3A_93[%gather3A_98] in [0] : vector<16xf32>, vector<16xi32> -> vector<16xf32>
      %add3A_100 = arith.addf %add3A_93, %gather3A_99 : vector<16xf32>
      %select_n3A = arith.select %eq3A_75, %add3A_100, %broadcast_in_dim3A_72 : vector<16xi1>, vector<16xf32>
      %eq3A_101 = arith.constant 1 : i32
      %eq3A_102 = vector.broadcast %eq3A_101 : i32 to vector<16xi32>
      %eq3A_103 = arith.cmpi eq, %iota3A, %eq3A_102 : vector<16xi32>
      %xor3A_104 = arith.constant 8 : i32
      %xor3A_105 = vector.broadcast %xor3A_104 : i32 to vector<16xi32>
      %xor3A_106 = arith.xori %iota3A, %xor3A_105 : vector<16xi32>
      %broadcast_in_dim3A_107 = vector.shape_cast %xor3A_106 : vector<16xi32> to vector<16x1xi32>
      %gather3A_108 = vector.shape_cast %broadcast_in_dim3A_107 : vector<16x1xi32> to vector<16xi32>
      %gather3A_109 = tpu.dynamic_gather %scan3A_69#1[%gather3A_108] in [0] : vector<16xf32>, vector<16xi32> -> vector<16xf32>
      %add3A_110 = arith.addf %scan3A_69#1, %gather3A_109 : vector<16xf32>
      %xor3A_111 = arith.constant 4 : i32
      %xor3A_112 = vector.broadcast %xor3A_111 : i32 to vector<16xi32>
      %xor3A_113 = arith.xori %iota3A, %xor3A_112 : vector<16xi32>
      %broadcast_in_dim3A_114 = vector.shape_cast %xor3A_113 : vector<16xi32> to vector<16x1xi32>
      %gather3A_115 = vector.shape_cast %broadcast_in_dim3A_114 : vector<16x1xi32> to vector<16xi32>
      %gather3A_116 = tpu.dynamic_gather %add3A_110[%gather3A_115] in [0] : vector<16xf32>, vector<16xi32> -> vector<16xf32>
      %add3A_117 = arith.addf %add3A_110, %gather3A_116 : vector<16xf32>
      %xor3A_118 = arith.constant 2 : i32
      %xor3A_119 = vector.broadcast %xor3A_118 : i32 to vector<16xi32>
      %xor3A_120 = arith.xori %iota3A, %xor3A_119 : vector<16xi32>
      %broadcast_in_dim3A_121 = vector.shape_cast %xor3A_120 : vector<16xi32> to vector<16x1xi32>
      %gather3A_122 = vector.shape_cast %broadcast_in_dim3A_121 : vector<16x1xi32> to vector<16xi32>
      %gather3A_123 = tpu.dynamic_gather %add3A_117[%gather3A_122] in [0] : vector<16xf32>, vector<16xi32> -> vector<16xf32>
      %add3A_124 = arith.addf %add3A_117, %gather3A_123 : vector<16xf32>
      %xor3A_125 = arith.constant 1 : i32
      %xor3A_126 = vector.broadcast %xor3A_125 : i32 to vector<16xi32>
      %xor3A_127 = arith.xori %iota3A, %xor3A_126 : vector<16xi32>
      %broadcast_in_dim3A_128 = vector.shape_cast %xor3A_127 : vector<16xi32> to vector<16x1xi32>
      %gather3A_129 = vector.shape_cast %broadcast_in_dim3A_128 : vector<16x1xi32> to vector<16xi32>
      %gather3A_130 = tpu.dynamic_gather %add3A_124[%gather3A_129] in [0] : vector<16xf32>, vector<16xi32> -> vector<16xf32>
      %add3A_131 = arith.addf %add3A_124, %gather3A_130 : vector<16xf32>
      %select_n3A_132 = arith.select %eq3A_103, %add3A_131, %select_n3A : vector<16xi1>, vector<16xf32>
      %eq3A_133 = arith.constant 2 : i32
      %eq3A_134 = vector.broadcast %eq3A_133 : i32 to vector<16xi32>
      %eq3A_135 = arith.cmpi eq, %iota3A, %eq3A_134 : vector<16xi32>
      %xor3A_136 = arith.constant 8 : i32
      %xor3A_137 = vector.broadcast %xor3A_136 : i32 to vector<16xi32>
      %xor3A_138 = arith.xori %iota3A, %xor3A_137 : vector<16xi32>
      %broadcast_in_dim3A_139 = vector.shape_cast %xor3A_138 : vector<16xi32> to vector<16x1xi32>
      %gather3A_140 = vector.shape_cast %broadcast_in_dim3A_139 : vector<16x1xi32> to vector<16xi32>
      %gather3A_141 = tpu.dynamic_gather %scan3A_69#2[%gather3A_140] in [0] : vector<16xf32>, vector<16xi32> -> vector<16xf32>
      %add3A_142 = arith.addf %scan3A_69#2, %gather3A_141 : vector<16xf32>
      %xor3A_143 = arith.constant 4 : i32
      %xor3A_144 = vector.broadcast %xor3A_143 : i32 to vector<16xi32>
      %xor3A_145 = arith.xori %iota3A, %xor3A_144 : vector<16xi32>
      %broadcast_in_dim3A_146 = vector.shape_cast %xor3A_145 : vector<16xi32> to vector<16x1xi32>
      %gather3A_147 = vector.shape_cast %broadcast_in_dim3A_146 : vector<16x1xi32> to vector<16xi32>
      %gather3A_148 = tpu.dynamic_gather %add3A_142[%gather3A_147] in [0] : vector<16xf32>, vector<16xi32> -> vector<16xf32>
      %add3A_149 = arith.addf %add3A_142, %gather3A_148 : vector<16xf32>
      %xor3A_150 = arith.constant 2 : i32
      %xor3A_151 = vector.broadcast %xor3A_150 : i32 to vector<16xi32>
      %xor3A_152 = arith.xori %iota3A, %xor3A_151 : vector<16xi32>
      %broadcast_in_dim3A_153 = vector.shape_cast %xor3A_152 : vector<16xi32> to vector<16x1xi32>
      %gather3A_154 = vector.shape_cast %broadcast_in_dim3A_153 : vector<16x1xi32> to vector<16xi32>
      %gather3A_155 = tpu.dynamic_gather %add3A_149[%gather3A_154] in [0] : vector<16xf32>, vector<16xi32> -> vector<16xf32>
      %add3A_156 = arith.addf %add3A_149, %gather3A_155 : vector<16xf32>
      %xor3A_157 = arith.constant 1 : i32
      %xor3A_158 = vector.broadcast %xor3A_157 : i32 to vector<16xi32>
      %xor3A_159 = arith.xori %iota3A, %xor3A_158 : vector<16xi32>
      %broadcast_in_dim3A_160 = vector.shape_cast %xor3A_159 : vector<16xi32> to vector<16x1xi32>
      %gather3A_161 = vector.shape_cast %broadcast_in_dim3A_160 : vector<16x1xi32> to vector<16xi32>
      %gather3A_162 = tpu.dynamic_gather %add3A_156[%gather3A_161] in [0] : vector<16xf32>, vector<16xi32> -> vector<16xf32>
      %add3A_163 = arith.addf %add3A_156, %gather3A_162 : vector<16xf32>
      %select_n3A_164 = arith.select %eq3A_135, %add3A_163, %select_n3A_132 : vector<16xi1>, vector<16xf32>
      %eq3A_165 = arith.constant 3 : i32
      %eq3A_166 = vector.broadcast %eq3A_165 : i32 to vector<16xi32>
      %eq3A_167 = arith.cmpi eq, %iota3A, %eq3A_166 : vector<16xi32>
      %xor3A_168 = arith.constant 8 : i32
      %xor3A_169 = vector.broadcast %xor3A_168 : i32 to vector<16xi32>
      %xor3A_170 = arith.xori %iota3A, %xor3A_169 : vector<16xi32>
      %broadcast_in_dim3A_171 = vector.shape_cast %xor3A_170 : vector<16xi32> to vector<16x1xi32>
      %gather3A_172 = vector.shape_cast %broadcast_in_dim3A_171 : vector<16x1xi32> to vector<16xi32>
      %gather3A_173 = tpu.dynamic_gather %scan3A_69#3[%gather3A_172] in [0] : vector<16xf32>, vector<16xi32> -> vector<16xf32>
      %add3A_174 = arith.addf %scan3A_69#3, %gather3A_173 : vector<16xf32>
      %xor3A_175 = arith.constant 4 : i32
      %xor3A_176 = vector.broadcast %xor3A_175 : i32 to vector<16xi32>
      %xor3A_177 = arith.xori %iota3A, %xor3A_176 : vector<16xi32>
      %broadcast_in_dim3A_178 = vector.shape_cast %xor3A_177 : vector<16xi32> to vector<16x1xi32>
      %gather3A_179 = vector.shape_cast %broadcast_in_dim3A_178 : vector<16x1xi32> to vector<16xi32>
      %gather3A_180 = tpu.dynamic_gather %add3A_174[%gather3A_179] in [0] : vector<16xf32>, vector<16xi32> -> vector<16xf32>
      %add3A_181 = arith.addf %add3A_174, %gather3A_180 : vector<16xf32>
      %xor3A_182 = arith.constant 2 : i32
      %xor3A_183 = vector.broadcast %xor3A_182 : i32 to vector<16xi32>
      %xor3A_184 = arith.xori %iota3A, %xor3A_183 : vector<16xi32>
      %broadcast_in_dim3A_185 = vector.shape_cast %xor3A_184 : vector<16xi32> to vector<16x1xi32>
      %gather3A_186 = vector.shape_cast %broadcast_in_dim3A_185 : vector<16x1xi32> to vector<16xi32>
      %gather3A_187 = tpu.dynamic_gather %add3A_181[%gather3A_186] in [0] : vector<16xf32>, vector<16xi32> -> vector<16xf32>
      %add3A_188 = arith.addf %add3A_181, %gather3A_187 : vector<16xf32>
      %xor3A_189 = arith.constant 1 : i32
      %xor3A_190 = vector.broadcast %xor3A_189 : i32 to vector<16xi32>
      %xor3A_191 = arith.xori %iota3A, %xor3A_190 : vector<16xi32>
      %broadcast_in_dim3A_192 = vector.shape_cast %xor3A_191 : vector<16xi32> to vector<16x1xi32>
      %gather3A_193 = vector.shape_cast %broadcast_in_dim3A_192 : vector<16x1xi32> to vector<16xi32>
      %gather3A_194 = tpu.dynamic_gather %add3A_188[%gather3A_193] in [0] : vector<16xf32>, vector<16xi32> -> vector<16xf32>
      %add3A_195 = arith.addf %add3A_188, %gather3A_194 : vector<16xf32>
      %select_n3A_196 = arith.select %eq3A_167, %add3A_195, %select_n3A_164 : vector<16xi1>, vector<16xf32>
      %eq3A_197 = arith.constant 4 : i32
      %eq3A_198 = vector.broadcast %eq3A_197 : i32 to vector<16xi32>
      %eq3A_199 = arith.cmpi eq, %iota3A, %eq3A_198 : vector<16xi32>
      %xor3A_200 = arith.constant 8 : i32
      %xor3A_201 = vector.broadcast %xor3A_200 : i32 to vector<16xi32>
      %xor3A_202 = arith.xori %iota3A, %xor3A_201 : vector<16xi32>
      %broadcast_in_dim3A_203 = vector.shape_cast %xor3A_202 : vector<16xi32> to vector<16x1xi32>
      %gather3A_204 = vector.shape_cast %broadcast_in_dim3A_203 : vector<16x1xi32> to vector<16xi32>
      %gather3A_205 = tpu.dynamic_gather %scan3A_69#4[%gather3A_204] in [0] : vector<16xf32>, vector<16xi32> -> vector<16xf32>
      %add3A_206 = arith.addf %scan3A_69#4, %gather3A_205 : vector<16xf32>
      %xor3A_207 = arith.constant 4 : i32
      %xor3A_208 = vector.broadcast %xor3A_207 : i32 to vector<16xi32>
      %xor3A_209 = arith.xori %iota3A, %xor3A_208 : vector<16xi32>
      %broadcast_in_dim3A_210 = vector.shape_cast %xor3A_209 : vector<16xi32> to vector<16x1xi32>
      %gather3A_211 = vector.shape_cast %broadcast_in_dim3A_210 : vector<16x1xi32> to vector<16xi32>
      %gather3A_212 = tpu.dynamic_gather %add3A_206[%gather3A_211] in [0] : vector<16xf32>, vector<16xi32> -> vector<16xf32>
      %add3A_213 = arith.addf %add3A_206, %gather3A_212 : vector<16xf32>
      %xor3A_214 = arith.constant 2 : i32
      %xor3A_215 = vector.broadcast %xor3A_214 : i32 to vector<16xi32>
      %xor3A_216 = arith.xori %iota3A, %xor3A_215 : vector<16xi32>
      %broadcast_in_dim3A_217 = vector.shape_cast %xor3A_216 : vector<16xi32> to vector<16x1xi32>
      %gather3A_218 = vector.shape_cast %broadcast_in_dim3A_217 : vector<16x1xi32> to vector<16xi32>
      %gather3A_219 = tpu.dynamic_gather %add3A_213[%gather3A_218] in [0] : vector<16xf32>, vector<16xi32> -> vector<16xf32>
      %add3A_220 = arith.addf %add3A_213, %gather3A_219 : vector<16xf32>
      %xor3A_221 = arith.constant 1 : i32
      %xor3A_222 = vector.broadcast %xor3A_221 : i32 to vector<16xi32>
      %xor3A_223 = arith.xori %iota3A, %xor3A_222 : vector<16xi32>
      %broadcast_in_dim3A_224 = vector.shape_cast %xor3A_223 : vector<16xi32> to vector<16x1xi32>
      %gather3A_225 = vector.shape_cast %broadcast_in_dim3A_224 : vector<16x1xi32> to vector<16xi32>
      %gather3A_226 = tpu.dynamic_gather %add3A_220[%gather3A_225] in [0] : vector<16xf32>, vector<16xi32> -> vector<16xf32>
      %add3A_227 = arith.addf %add3A_220, %gather3A_226 : vector<16xf32>
      %select_n3A_228 = arith.select %eq3A_199, %add3A_227, %select_n3A_196 : vector<16xi1>, vector<16xf32>
      %eq3A_229 = arith.constant 5 : i32
      %eq3A_230 = vector.broadcast %eq3A_229 : i32 to vector<16xi32>
      %eq3A_231 = arith.cmpi eq, %iota3A, %eq3A_230 : vector<16xi32>
      %xor3A_232 = arith.constant 8 : i32
      %xor3A_233 = vector.broadcast %xor3A_232 : i32 to vector<16xi32>
      %xor3A_234 = arith.xori %iota3A, %xor3A_233 : vector<16xi32>
      %broadcast_in_dim3A_235 = vector.shape_cast %xor3A_234 : vector<16xi32> to vector<16x1xi32>
      %gather3A_236 = vector.shape_cast %broadcast_in_dim3A_235 : vector<16x1xi32> to vector<16xi32>
      %gather3A_237 = tpu.dynamic_gather %scan3A_69#5[%gather3A_236] in [0] : vector<16xf32>, vector<16xi32> -> vector<16xf32>
      %add3A_238 = arith.addf %scan3A_69#5, %gather3A_237 : vector<16xf32>
      %xor3A_239 = arith.constant 4 : i32
      %xor3A_240 = vector.broadcast %xor3A_239 : i32 to vector<16xi32>
      %xor3A_241 = arith.xori %iota3A, %xor3A_240 : vector<16xi32>
      %broadcast_in_dim3A_242 = vector.shape_cast %xor3A_241 : vector<16xi32> to vector<16x1xi32>
      %gather3A_243 = vector.shape_cast %broadcast_in_dim3A_242 : vector<16x1xi32> to vector<16xi32>
      %gather3A_244 = tpu.dynamic_gather %add3A_238[%gather3A_243] in [0] : vector<16xf32>, vector<16xi32> -> vector<16xf32>
      %add3A_245 = arith.addf %add3A_238, %gather3A_244 : vector<16xf32>
      %xor3A_246 = arith.constant 2 : i32
      %xor3A_247 = vector.broadcast %xor3A_246 : i32 to vector<16xi32>
      %xor3A_248 = arith.xori %iota3A, %xor3A_247 : vector<16xi32>
      %broadcast_in_dim3A_249 = vector.shape_cast %xor3A_248 : vector<16xi32> to vector<16x1xi32>
      %gather3A_250 = vector.shape_cast %broadcast_in_dim3A_249 : vector<16x1xi32> to vector<16xi32>
      %gather3A_251 = tpu.dynamic_gather %add3A_245[%gather3A_250] in [0] : vector<16xf32>, vector<16xi32> -> vector<16xf32>
      %add3A_252 = arith.addf %add3A_245, %gather3A_251 : vector<16xf32>
      %xor3A_253 = arith.constant 1 : i32
      %xor3A_254 = vector.broadcast %xor3A_253 : i32 to vector<16xi32>
      %xor3A_255 = arith.xori %iota3A, %xor3A_254 : vector<16xi32>
      %broadcast_in_dim3A_256 = vector.shape_cast %xor3A_255 : vector<16xi32> to vector<16x1xi32>
      %gather3A_257 = vector.shape_cast %broadcast_in_dim3A_256 : vector<16x1xi32> to vector<16xi32>
      %gather3A_258 = tpu.dynamic_gather %add3A_252[%gather3A_257] in [0] : vector<16xf32>, vector<16xi32> -> vector<16xf32>
      %add3A_259 = arith.addf %add3A_252, %gather3A_258 : vector<16xf32>
      %select_n3A_260 = arith.select %eq3A_231, %add3A_259, %select_n3A_228 : vector<16xi1>, vector<16xf32>
      %eq3A_261 = arith.constant 6 : i32
      %eq3A_262 = vector.broadcast %eq3A_261 : i32 to vector<16xi32>
      %eq3A_263 = arith.cmpi eq, %iota3A, %eq3A_262 : vector<16xi32>
      %xor3A_264 = arith.constant 8 : i32
      %xor3A_265 = vector.broadcast %xor3A_264 : i32 to vector<16xi32>
      %xor3A_266 = arith.xori %iota3A, %xor3A_265 : vector<16xi32>
      %broadcast_in_dim3A_267 = vector.shape_cast %xor3A_266 : vector<16xi32> to vector<16x1xi32>
      %gather3A_268 = vector.shape_cast %broadcast_in_dim3A_267 : vector<16x1xi32> to vector<16xi32>
      %gather3A_269 = tpu.dynamic_gather %scan3A_69#6[%gather3A_268] in [0] : vector<16xf32>, vector<16xi32> -> vector<16xf32>
      %add3A_270 = arith.addf %scan3A_69#6, %gather3A_269 : vector<16xf32>
      %xor3A_271 = arith.constant 4 : i32
      %xor3A_272 = vector.broadcast %xor3A_271 : i32 to vector<16xi32>
      %xor3A_273 = arith.xori %iota3A, %xor3A_272 : vector<16xi32>
      %broadcast_in_dim3A_274 = vector.shape_cast %xor3A_273 : vector<16xi32> to vector<16x1xi32>
      %gather3A_275 = vector.shape_cast %broadcast_in_dim3A_274 : vector<16x1xi32> to vector<16xi32>
      %gather3A_276 = tpu.dynamic_gather %add3A_270[%gather3A_275] in [0] : vector<16xf32>, vector<16xi32> -> vector<16xf32>
      %add3A_277 = arith.addf %add3A_270, %gather3A_276 : vector<16xf32>
      %xor3A_278 = arith.constant 2 : i32
      %xor3A_279 = vector.broadcast %xor3A_278 : i32 to vector<16xi32>
      %xor3A_280 = arith.xori %iota3A, %xor3A_279 : vector<16xi32>
      %broadcast_in_dim3A_281 = vector.shape_cast %xor3A_280 : vector<16xi32> to vector<16x1xi32>
      %gather3A_282 = vector.shape_cast %broadcast_in_dim3A_281 : vector<16x1xi32> to vector<16xi32>
      %gather3A_283 = tpu.dynamic_gather %add3A_277[%gather3A_282] in [0] : vector<16xf32>, vector<16xi32> -> vector<16xf32>
      %add3A_284 = arith.addf %add3A_277, %gather3A_283 : vector<16xf32>
      %xor3A_285 = arith.constant 1 : i32
      %xor3A_286 = vector.broadcast %xor3A_285 : i32 to vector<16xi32>
      %xor3A_287 = arith.xori %iota3A, %xor3A_286 : vector<16xi32>
      %broadcast_in_dim3A_288 = vector.shape_cast %xor3A_287 : vector<16xi32> to vector<16x1xi32>
      %gather3A_289 = vector.shape_cast %broadcast_in_dim3A_288 : vector<16x1xi32> to vector<16xi32>
      %gather3A_290 = tpu.dynamic_gather %add3A_284[%gather3A_289] in [0] : vector<16xf32>, vector<16xi32> -> vector<16xf32>
      %add3A_291 = arith.addf %add3A_284, %gather3A_290 : vector<16xf32>
      %select_n3A_292 = arith.select %eq3A_263, %add3A_291, %select_n3A_260 : vector<16xi1>, vector<16xf32>
      %eq3A_293 = arith.constant 7 : i32
      %eq3A_294 = vector.broadcast %eq3A_293 : i32 to vector<16xi32>
      %eq3A_295 = arith.cmpi eq, %iota3A, %eq3A_294 : vector<16xi32>
      %xor3A_296 = arith.constant 8 : i32
      %xor3A_297 = vector.broadcast %xor3A_296 : i32 to vector<16xi32>
      %xor3A_298 = arith.xori %iota3A, %xor3A_297 : vector<16xi32>
      %broadcast_in_dim3A_299 = vector.shape_cast %xor3A_298 : vector<16xi32> to vector<16x1xi32>
      %gather3A_300 = vector.shape_cast %broadcast_in_dim3A_299 : vector<16x1xi32> to vector<16xi32>
      %gather3A_301 = tpu.dynamic_gather %scan3A_69#7[%gather3A_300] in [0] : vector<16xf32>, vector<16xi32> -> vector<16xf32>
      %add3A_302 = arith.addf %scan3A_69#7, %gather3A_301 : vector<16xf32>
      %xor3A_303 = arith.constant 4 : i32
      %xor3A_304 = vector.broadcast %xor3A_303 : i32 to vector<16xi32>
      %xor3A_305 = arith.xori %iota3A, %xor3A_304 : vector<16xi32>
      %broadcast_in_dim3A_306 = vector.shape_cast %xor3A_305 : vector<16xi32> to vector<16x1xi32>
      %gather3A_307 = vector.shape_cast %broadcast_in_dim3A_306 : vector<16x1xi32> to vector<16xi32>
      %gather3A_308 = tpu.dynamic_gather %add3A_302[%gather3A_307] in [0] : vector<16xf32>, vector<16xi32> -> vector<16xf32>
      %add3A_309 = arith.addf %add3A_302, %gather3A_308 : vector<16xf32>
      %xor3A_310 = arith.constant 2 : i32
      %xor3A_311 = vector.broadcast %xor3A_310 : i32 to vector<16xi32>
      %xor3A_312 = arith.xori %iota3A, %xor3A_311 : vector<16xi32>
      %broadcast_in_dim3A_313 = vector.shape_cast %xor3A_312 : vector<16xi32> to vector<16x1xi32>
      %gather3A_314 = vector.shape_cast %broadcast_in_dim3A_313 : vector<16x1xi32> to vector<16xi32>
      %gather3A_315 = tpu.dynamic_gather %add3A_309[%gather3A_314] in [0] : vector<16xf32>, vector<16xi32> -> vector<16xf32>
      %add3A_316 = arith.addf %add3A_309, %gather3A_315 : vector<16xf32>
      %xor3A_317 = arith.constant 1 : i32
      %xor3A_318 = vector.broadcast %xor3A_317 : i32 to vector<16xi32>
      %xor3A_319 = arith.xori %iota3A, %xor3A_318 : vector<16xi32>
      %broadcast_in_dim3A_320 = vector.shape_cast %xor3A_319 : vector<16xi32> to vector<16x1xi32>
      %gather3A_321 = vector.shape_cast %broadcast_in_dim3A_320 : vector<16x1xi32> to vector<16xi32>
      %gather3A_322 = tpu.dynamic_gather %add3A_316[%gather3A_321] in [0] : vector<16xf32>, vector<16xi32> -> vector<16xf32>
      %add3A_323 = arith.addf %add3A_316, %gather3A_322 : vector<16xf32>
      %select_n3A_324 = arith.select %eq3A_295, %add3A_323, %select_n3A_292 : vector<16xi1>, vector<16xf32>
      %get3A = arith.constant 0 : index
      %get3A_325 = tpu.vector_load %arg11[%get3A] {strides = array<i32>} : memref<32xf32, #tpu.memory_space<vmem>>, vector<16xf32>,
      %get3A_326 = vector.shape_cast %get3A_325 : vector<16xf32> to vector<16xf32>
      %mul3A = arith.mulf %get3A_326, %select_n3A_324 : vector<16xf32>
      %neg3A = arith.constant 0.000000e+00 : f32
      %neg3A_327 = vector.broadcast %neg3A : f32 to vector<16xf32>
      %neg3A_328 = arith.subf %neg3A_327, %mul3A : vector<16xf32>
      %exp3A = math.exp %neg3A_328 : vector<16xf32>
      %add3A_329 = arith.constant 1.000000e+00 : f32
      %add3A_330 = vector.broadcast %add3A_329 : f32 to vector<16xf32>
      %add3A_331 = arith.addf %add3A_330, %exp3A : vector<16xf32>
      %div3A = arith.constant 1.000000e+00 : f32
      %div3A_332 = vector.broadcast %div3A : f32 to vector<16xf32>
      %div3A_333 = arith.divf %div3A_332, %add3A_331 : vector<16xf32>
      %get3A_334 = arith.constant 16 : index
      %get3A_335 = tpu.vector_load %arg11[%get3A_334] {strides = array<i32>} : memref<32xf32, #tpu.memory_space<vmem>>, vector<16xf32>,
      %get3A_336 = vector.shape_cast %get3A_335 : vector<16xf32> to vector<16xf32>
      %add3A_337 = arith.constant 1.000000e-07 : f32
      %add3A_338 = vector.broadcast %add3A_337 : f32 to vector<16xf32>
      %add3A_339 = arith.addf %div3A_333, %add3A_338 : vector<16xf32>
      %broadcast_in_dim3A_340 = arith.constant 0.000000e+00 : f32
      %broadcast_in_dim3A_341 = vector.broadcast %broadcast_in_dim3A_340 : f32 to vector<16xf32>
      %mul3A_342 = arith.constant 6.553600e+04 : f32
      %mul3A_343 = vector.broadcast %mul3A_342 : f32 to vector<16xf32>
      %mul3A_344 = arith.mulf %add3A_339, %mul3A_343 : vector<16xf32>
      %lt3A = arith.constant 2.000000e+00 : f32
      %lt3A_345 = vector.broadcast %lt3A : f32 to vector<16xf32>
      %lt3A_346 = arith.cmpf olt, %mul3A_344, %lt3A_345 : vector<16xf32>
      %mul3A_347 = arith.constant 6.553600e+04 : f32
      %mul3A_348 = vector.broadcast %mul3A_347 : f32 to vector<16xf32>
      %mul3A_349 = arith.mulf %add3A_339, %mul3A_348 : vector<16xf32>
      %select_n3A_350 = arith.select %lt3A_346, %mul3A_349, %add3A_339 : vector<16xi1>, vector<16xf32>
      %sub3A = arith.constant 1.600000e+01 : f32
      %sub3A_351 = vector.broadcast %sub3A : f32 to vector<16xf32>
      %sub3A_352 = arith.subf %broadcast_in_dim3A_341, %sub3A_351 : vector<16xf32>
      %select_n3A_353 = arith.select %lt3A_346, %sub3A_352, %broadcast_in_dim3A_341 : vector<16xi1>, vector<16xf32>
      %mul3A_354 = arith.constant 2.560000e+02 : f32
      %mul3A_355 = vector.broadcast %mul3A_354 : f32 to vector<16xf32>
      %mul3A_356 = arith.mulf %select_n3A_350, %mul3A_355 : vector<16xf32>
      %lt3A_357 = arith.constant 2.000000e+00 : f32
      %lt3A_358 = vector.broadcast %lt3A_357 : f32 to vector<16xf32>
      %lt3A_359 = arith.cmpf olt, %mul3A_356, %lt3A_358 : vector<16xf32>
      %mul3A_360 = arith.constant 2.560000e+02 : f32
      %mul3A_361 = vector.broadcast %mul3A_360 : f32 to vector<16xf32>
      %mul3A_362 = arith.mulf %select_n3A_350, %mul3A_361 : vector<16xf32>
      %select_n3A_363 = arith.select %lt3A_359, %mul3A_362, %select_n3A_350 : vector<16xi1>, vector<16xf32>
      %sub3A_364 = arith.constant 8.000000e+00 : f32
      %sub3A_365 = vector.broadcast %sub3A_364 : f32 to vector<16xf32>
      %sub3A_366 = arith.subf %select_n3A_353, %sub3A_365 : vector<16xf32>
      %select_n3A_367 = arith.select %lt3A_359, %sub3A_366, %select_n3A_353 : vector<16xi1>, vector<16xf32>
      %mul3A_368 = arith.constant 1.600000e+01 : f32
      %mul3A_369 = vector.broadcast %mul3A_368 : f32 to vector<16xf32>
      %mul3A_370 = arith.mulf %select_n3A_363, %mul3A_369 : vector<16xf32>
      %lt3A_371 = arith.constant 2.000000e+00 : f32
      %lt3A_372 = vector.broadcast %lt3A_371 : f32 to vector<16xf32>
      %lt3A_373 = arith.cmpf olt, %mul3A_370, %lt3A_372 : vector<16xf32>
      %mul3A_374 = arith.constant 1.600000e+01 : f32
      %mul3A_375 = vector.broadcast %mul3A_374 : f32 to vector<16xf32>
      %mul3A_376 = arith.mulf %select_n3A_363, %mul3A_375 : vector<16xf32>
      %select_n3A_377 = arith.select %lt3A_373, %mul3A_376, %select_n3A_363 : vector<16xi1>, vector<16xf32>
      %sub3A_378 = arith.constant 4.000000e+00 : f32
      %sub3A_379 = vector.broadcast %sub3A_378 : f32 to vector<16xf32>
      %sub3A_380 = arith.subf %select_n3A_367, %sub3A_379 : vector<16xf32>
      %select_n3A_381 = arith.select %lt3A_373, %sub3A_380, %select_n3A_367 : vector<16xi1>, vector<16xf32>
      %mul3A_382 = arith.constant 4.000000e+00 : f32
      %mul3A_383 = vector.broadcast %mul3A_382 : f32 to vector<16xf32>
      %mul3A_384 = arith.mulf %select_n3A_377, %mul3A_383 : vector<16xf32>
      %lt3A_385 = arith.constant 2.000000e+00 : f32
      %lt3A_386 = vector.broadcast %lt3A_385 : f32 to vector<16xf32>
      %lt3A_387 = arith.cmpf olt, %mul3A_384, %lt3A_386 : vector<16xf32>
      %mul3A_388 = arith.constant 4.000000e+00 : f32
      %mul3A_389 = vector.broadcast %mul3A_388 : f32 to vector<16xf32>
      %mul3A_390 = arith.mulf %select_n3A_377, %mul3A_389 : vector<16xf32>
      %select_n3A_391 = arith.select %lt3A_387, %mul3A_390, %select_n3A_377 : vector<16xi1>, vector<16xf32>
      %sub3A_392 = arith.constant 2.000000e+00 : f32
      %sub3A_393 = vector.broadcast %sub3A_392 : f32 to vector<16xf32>
      %sub3A_394 = arith.subf %select_n3A_381, %sub3A_393 : vector<16xf32>
      %select_n3A_395 = arith.select %lt3A_387, %sub3A_394, %select_n3A_381 : vector<16xi1>, vector<16xf32>
      %mul3A_396 = arith.constant 2.000000e+00 : f32
      %mul3A_397 = vector.broadcast %mul3A_396 : f32 to vector<16xf32>
      %mul3A_398 = arith.mulf %select_n3A_391, %mul3A_397 : vector<16xf32>
      %lt3A_399 = arith.constant 2.000000e+00 : f32
      %lt3A_400 = vector.broadcast %lt3A_399 : f32 to vector<16xf32>
      %lt3A_401 = arith.cmpf olt, %mul3A_398, %lt3A_400 : vector<16xf32>
      %mul3A_402 = arith.constant 2.000000e+00 : f32
      %mul3A_403 = vector.broadcast %mul3A_402 : f32 to vector<16xf32>
      %mul3A_404 = arith.mulf %select_n3A_391, %mul3A_403 : vector<16xf32>
      %select_n3A_405 = arith.select %lt3A_401, %mul3A_404, %select_n3A_391 : vector<16xi1>, vector<16xf32>
      %sub3A_406 = arith.constant 1.000000e+00 : f32
      %sub3A_407 = vector.broadcast %sub3A_406 : f32 to vector<16xf32>
      %sub3A_408 = arith.subf %select_n3A_395, %sub3A_407 : vector<16xf32>
      %select_n3A_409 = arith.select %lt3A_401, %sub3A_408, %select_n3A_395 : vector<16xi1>, vector<16xf32>
      %ge3A = arith.constant 1.41421354 : f32
      %ge3A_410 = vector.broadcast %ge3A : f32 to vector<16xf32>
      %ge3A_411 = arith.cmpf oge, %select_n3A_405, %ge3A_410 : vector<16xf32>
      %mul3A_412 = arith.constant 5.000000e-01 : f32
      %mul3A_413 = vector.broadcast %mul3A_412 : f32 to vector<16xf32>
      %mul3A_414 = arith.mulf %select_n3A_405, %mul3A_413 : vector<16xf32>
      %select_n3A_415 = arith.select %ge3A_411, %mul3A_414, %select_n3A_405 : vector<16xi1>, vector<16xf32>
      %add3A_416 = arith.constant 1.000000e+00 : f32
      %add3A_417 = vector.broadcast %add3A_416 : f32 to vector<16xf32>
      %add3A_418 = arith.addf %select_n3A_409, %add3A_417 : vector<16xf32>
      %select_n3A_419 = arith.select %ge3A_411, %add3A_418, %select_n3A_409 : vector<16xi1>, vector<16xf32>
      %sub3A_420 = arith.constant 1.000000e+00 : f32
      %sub3A_421 = vector.broadcast %sub3A_420 : f32 to vector<16xf32>
      %sub3A_422 = arith.subf %select_n3A_415, %sub3A_421 : vector<16xf32>
      %add3A_423 = arith.constant 1.000000e+00 : f32
      %add3A_424 = vector.broadcast %add3A_423 : f32 to vector<16xf32>
      %add3A_425 = arith.addf %select_n3A_415, %add3A_424 : vector<16xf32>
      %div3A_426 = arith.divf %sub3A_422, %add3A_425 : vector<16xf32>
      %mul3A_427 = arith.mulf %div3A_426, %div3A_426 : vector<16xf32>
      %mul3A_428 = arith.constant 0.111111112 : f32
      %mul3A_429 = vector.broadcast %mul3A_428 : f32 to vector<16xf32>
      %mul3A_430 = arith.mulf %mul3A_427, %mul3A_429 : vector<16xf32>
      %add3A_431 = arith.constant 0.142857149 : f32
      %add3A_432 = vector.broadcast %add3A_431 : f32 to vector<16xf32>
      %add3A_433 = arith.addf %add3A_432, %mul3A_430 : vector<16xf32>
      %mul3A_434 = arith.mulf %mul3A_427, %add3A_433 : vector<16xf32>
      %add3A_435 = arith.constant 2.000000e-01 : f32
      %add3A_436 = vector.broadcast %add3A_435 : f32 to vector<16xf32>
      %add3A_437 = arith.addf %add3A_436, %mul3A_434 : vector<16xf32>
      %mul3A_438 = arith.mulf %mul3A_427, %add3A_437 : vector<16xf32>
      %add3A_439 = arith.constant 0.333333343 : f32
      %add3A_440 = vector.broadcast %add3A_439 : f32 to vector<16xf32>
      %add3A_441 = arith.addf %add3A_440, %mul3A_438 : vector<16xf32>
      %mul3A_442 = arith.mulf %mul3A_427, %add3A_441 : vector<16xf32>
      %add3A_443 = arith.constant 1.000000e+00 : f32
      %add3A_444 = vector.broadcast %add3A_443 : f32 to vector<16xf32>
      %add3A_445 = arith.addf %add3A_444, %mul3A_442 : vector<16xf32>
      %mul3A_446 = arith.constant 0.693147182 : f32
      %mul3A_447 = vector.broadcast %mul3A_446 : f32 to vector<16xf32>
      %mul3A_448 = arith.mulf %select_n3A_419, %mul3A_447 : vector<16xf32>
      %mul3A_449 = arith.constant 2.000000e+00 : f32
      %mul3A_450 = vector.broadcast %mul3A_449 : f32 to vector<16xf32>
      %mul3A_451 = arith.mulf %mul3A_450, %div3A_426 : vector<16xf32>
      %mul3A_452 = arith.mulf %mul3A_451, %add3A_445 : vector<16xf32>
      %add3A_453 = arith.addf %mul3A_448, %mul3A_452 : vector<16xf32>
      %mul3A_454 = arith.mulf %get3A_336, %add3A_453 : vector<16xf32>
      %swap3A = arith.constant 0 : index
      %swap3A_455 = tpu.vector_load %arg12[%swap3A] {strides = array<i32>} : memref<16xf32, #tpu.memory_space<vmem>>, vector<16xf32>,
      %swap3A_456 = vector.shape_cast %swap3A_455 : vector<16xf32> to vector<16xf32>
      %swap3A_457 = vector.shape_cast %mul3A_454 : vector<16xf32> to vector<16xf32>
      tpu.vector_store %arg12[%swap3A], %swap3A_457 {strides = array<i32>} : memref<16xf32, #tpu.memory_space<vmem>>, vector<16xf32>,
      "tpu.region"() ({
        %run_scoped3A = tpu.sem_alloc : memref<!tpu.dma_semaphore, #tpu.memory_space<semaphore_mem>>
        %dma_start3A_458 = arith.constant 0 : i32
        %dma_start3A_459 = tpu.memref_slice %arg7[%arg1, %dma_start3A_458] : memref<16x16xf32, #tpu.memory_space<hbm>> -> memref<1x16xf32, #tpu.memory_space<hbm>>
        %dma_start3A_460 = tpu.memref_squeeze %dma_start3A_459 : memref<1x16xf32, #tpu.memory_space<hbm>> -> memref<16xf32, #tpu.memory_space<hbm>>
        %dma_start3A_461 = arith.constant 0 : i32
        %dma_start3A_462 = tpu.memref_slice %arg7[%arg1, %dma_start3A_461] : memref<16x16xf32, #tpu.memory_space<hbm>> -> memref<1x16xf32, #tpu.memory_space<hbm>>
        %dma_start3A_463 = tpu.memref_squeeze %dma_start3A_462 : memref<1x16xf32, #tpu.memory_space<hbm>> -> memref<16xf32, #tpu.memory_space<hbm>>
        tpu.enqueue_dma source(%arg12 : memref<16xf32, #tpu.memory_space<vmem>>) target(%dma_start3A_463 : memref<16xf32, #tpu.memory_space<hbm>>) target_semaphore(%run_scoped3A : memref<!tpu.dma_semaphore, #tpu.memory_space<semaphore_mem>>)
        %dma_wait3A_464 = arith.constant 0 : i32
        %dma_wait3A_465 = tpu.memref_slice %arg7[%arg1, %dma_wait3A_464] : memref<16x16xf32, #tpu.memory_space<hbm>> -> memref<1x16xf32, #tpu.memory_space<hbm>>
        %dma_wait3A_466 = tpu.memref_squeeze %dma_wait3A_465 : memref<1x16xf32, #tpu.memory_space<hbm>> -> memref<16xf32, #tpu.memory_space<hbm>>
        %dma_wait3A_467 = arith.constant 0 : i32
        %dma_wait3A_468 = tpu.memref_slice %arg7[%arg1, %dma_wait3A_467] : memref<16x16xf32, #tpu.memory_space<hbm>> -> memref<1x16xf32, #tpu.memory_space<hbm>>
        %dma_wait3A_469 = tpu.memref_squeeze %dma_wait3A_468 : memref<1x16xf32, #tpu.memory_space<hbm>> -> memref<16xf32, #tpu.memory_space<hbm>>
        tpu.wait_dma2 semaphore(%run_scoped3A : memref<!tpu.dma_semaphore, #tpu.memory_space<semaphore_mem>>) src(%arg12 : memref<16xf32, #tpu.memory_space<vmem>>) dst(%dma_wait3A_469 : memref<16xf32, #tpu.memory_space<hbm>>)
        tpu.yield
      }) : () -> ()
    } else {
    }
    %barrier3A = arith.constant 0 : index
    tpu.barrier barrier_id(%barrier3A)
    %eq3A_2 = arith.constant 0 : i32
    %eq3A_3 = arith.cmpi eq, %arg0, %eq3A_2 : i32
    %eq3A_4 = arith.constant 0 : i32
    %eq3A_5 = arith.cmpi eq, %arg1, %eq3A_4 : i32
    %and3A = arith.andi %eq3A_3, %eq3A_5 : i1
    %convert_element_type3A_6 = arith.extui %and3A : i1 to i32
    %cond3A_7 = arith.constant 0 : i32
    %cond3A_8 = arith.cmpi ne, %convert_element_type3A_6, %cond3A_7 : i32
    scf.if %cond3A_8 {
      "tpu.region"() ({
        %run_scoped3A = tpu.sem_alloc : memref<!tpu.dma_semaphore, #tpu.memory_space<semaphore_mem>>
        tpu.enqueue_dma source(%arg7 : memref<16x16xf32, #tpu.memory_space<hbm>>) target(%arg13 : memref<16x16xf32, #tpu.memory_space<vmem>>) target_semaphore(%run_scoped3A : memref<!tpu.dma_semaphore, #tpu.memory_space<semaphore_mem>>)
        tpu.wait_dma2 semaphore(%run_scoped3A : memref<!tpu.dma_semaphore, #tpu.memory_space<semaphore_mem>>) src(%arg7 : memref<16x16xf32, #tpu.memory_space<hbm>>) dst(%arg13 : memref<16x16xf32, #tpu.memory_space<vmem>>)
        tpu.yield
      }) : () -> ()
      %broadcast_in_dim3A = arith.constant 0.000000e+00 : f32
      %broadcast_in_dim3A_9 = vector.broadcast %broadcast_in_dim3A : f32 to vector<16xf32>
      %get3A = arith.constant 0 : i32
      %get3A_10 = arith.index_cast %get3A : i32 to index
      %get3A_11 = arith.constant 0 : index
      %get3A_12 = tpu.vector_load %arg13[%get3A_10, %get3A_11] {strides = array<i32>} : memref<16x16xf32, #tpu.memory_space<vmem>>, vector<1x16xf32>,
      %get3A_13 = vector.shape_cast %get3A_12 : vector<1x16xf32> to vector<16xf32>
      %add3A = arith.addf %broadcast_in_dim3A_9, %get3A_13 : vector<16xf32>
      %get3A_14 = arith.constant 1 : i32
      %get3A_15 = arith.index_cast %get3A_14 : i32 to index
      %get3A_16 = arith.constant 0 : index
      %get3A_17 = tpu.vector_load %arg13[%get3A_15, %get3A_16] {strides = array<i32>} : memref<16x16xf32, #tpu.memory_space<vmem>>, vector<1x16xf32>,
      %get3A_18 = vector.shape_cast %get3A_17 : vector<1x16xf32> to vector<16xf32>
      %add3A_19 = arith.addf %add3A, %get3A_18 : vector<16xf32>
      %get3A_20 = arith.constant 2 : i32
      %get3A_21 = arith.index_cast %get3A_20 : i32 to index
      %get3A_22 = arith.constant 0 : index
      %get3A_23 = tpu.vector_load %arg13[%get3A_21, %get3A_22] {strides = array<i32>} : memref<16x16xf32, #tpu.memory_space<vmem>>, vector<1x16xf32>,
      %get3A_24 = vector.shape_cast %get3A_23 : vector<1x16xf32> to vector<16xf32>
      %add3A_25 = arith.addf %add3A_19, %get3A_24 : vector<16xf32>
      %get3A_26 = arith.constant 3 : i32
      %get3A_27 = arith.index_cast %get3A_26 : i32 to index
      %get3A_28 = arith.constant 0 : index
      %get3A_29 = tpu.vector_load %arg13[%get3A_27, %get3A_28] {strides = array<i32>} : memref<16x16xf32, #tpu.memory_space<vmem>>, vector<1x16xf32>,
      %get3A_30 = vector.shape_cast %get3A_29 : vector<1x16xf32> to vector<16xf32>
      %add3A_31 = arith.addf %add3A_25, %get3A_30 : vector<16xf32>
      %get3A_32 = arith.constant 4 : i32
      %get3A_33 = arith.index_cast %get3A_32 : i32 to index
      %get3A_34 = arith.constant 0 : index
      %get3A_35 = tpu.vector_load %arg13[%get3A_33, %get3A_34] {strides = array<i32>} : memref<16x16xf32, #tpu.memory_space<vmem>>, vector<1x16xf32>,
      %get3A_36 = vector.shape_cast %get3A_35 : vector<1x16xf32> to vector<16xf32>
      %add3A_37 = arith.addf %add3A_31, %get3A_36 : vector<16xf32>
      %get3A_38 = arith.constant 5 : i32
      %get3A_39 = arith.index_cast %get3A_38 : i32 to index
      %get3A_40 = arith.constant 0 : index
      %get3A_41 = tpu.vector_load %arg13[%get3A_39, %get3A_40] {strides = array<i32>} : memref<16x16xf32, #tpu.memory_space<vmem>>, vector<1x16xf32>,
      %get3A_42 = vector.shape_cast %get3A_41 : vector<1x16xf32> to vector<16xf32>
      %add3A_43 = arith.addf %add3A_37, %get3A_42 : vector<16xf32>
      %get3A_44 = arith.constant 6 : i32
      %get3A_45 = arith.index_cast %get3A_44 : i32 to index
      %get3A_46 = arith.constant 0 : index
      %get3A_47 = tpu.vector_load %arg13[%get3A_45, %get3A_46] {strides = array<i32>} : memref<16x16xf32, #tpu.memory_space<vmem>>, vector<1x16xf32>,
      %get3A_48 = vector.shape_cast %get3A_47 : vector<1x16xf32> to vector<16xf32>
      %add3A_49 = arith.addf %add3A_43, %get3A_48 : vector<16xf32>
      %get3A_50 = arith.constant 7 : i32
      %get3A_51 = arith.index_cast %get3A_50 : i32 to index
      %get3A_52 = arith.constant 0 : index
      %get3A_53 = tpu.vector_load %arg13[%get3A_51, %get3A_52] {strides = array<i32>} : memref<16x16xf32, #tpu.memory_space<vmem>>, vector<1x16xf32>,
      %get3A_54 = vector.shape_cast %get3A_53 : vector<1x16xf32> to vector<16xf32>
      %add3A_55 = arith.addf %add3A_49, %get3A_54 : vector<16xf32>
      %get3A_56 = arith.constant 8 : i32
      %get3A_57 = arith.index_cast %get3A_56 : i32 to index
      %get3A_58 = arith.constant 0 : index
      %get3A_59 = tpu.vector_load %arg13[%get3A_57, %get3A_58] {strides = array<i32>} : memref<16x16xf32, #tpu.memory_space<vmem>>, vector<1x16xf32>,
      %get3A_60 = vector.shape_cast %get3A_59 : vector<1x16xf32> to vector<16xf32>
      %add3A_61 = arith.addf %add3A_55, %get3A_60 : vector<16xf32>
      %get3A_62 = arith.constant 9 : i32
      %get3A_63 = arith.index_cast %get3A_62 : i32 to index
      %get3A_64 = arith.constant 0 : index
      %get3A_65 = tpu.vector_load %arg13[%get3A_63, %get3A_64] {strides = array<i32>} : memref<16x16xf32, #tpu.memory_space<vmem>>, vector<1x16xf32>,
      %get3A_66 = vector.shape_cast %get3A_65 : vector<1x16xf32> to vector<16xf32>
      %add3A_67 = arith.addf %add3A_61, %get3A_66 : vector<16xf32>
      %get3A_68 = arith.constant 10 : i32
      %get3A_69 = arith.index_cast %get3A_68 : i32 to index
      %get3A_70 = arith.constant 0 : index
      %get3A_71 = tpu.vector_load %arg13[%get3A_69, %get3A_70] {strides = array<i32>} : memref<16x16xf32, #tpu.memory_space<vmem>>, vector<1x16xf32>,
      %get3A_72 = vector.shape_cast %get3A_71 : vector<1x16xf32> to vector<16xf32>
      %add3A_73 = arith.addf %add3A_67, %get3A_72 : vector<16xf32>
      %get3A_74 = arith.constant 11 : i32
      %get3A_75 = arith.index_cast %get3A_74 : i32 to index
      %get3A_76 = arith.constant 0 : index
      %get3A_77 = tpu.vector_load %arg13[%get3A_75, %get3A_76] {strides = array<i32>} : memref<16x16xf32, #tpu.memory_space<vmem>>, vector<1x16xf32>,
      %get3A_78 = vector.shape_cast %get3A_77 : vector<1x16xf32> to vector<16xf32>
      %add3A_79 = arith.addf %add3A_73, %get3A_78 : vector<16xf32>
      %get3A_80 = arith.constant 12 : i32
      %get3A_81 = arith.index_cast %get3A_80 : i32 to index
      %get3A_82 = arith.constant 0 : index
      %get3A_83 = tpu.vector_load %arg13[%get3A_81, %get3A_82] {strides = array<i32>} : memref<16x16xf32, #tpu.memory_space<vmem>>, vector<1x16xf32>,
      %get3A_84 = vector.shape_cast %get3A_83 : vector<1x16xf32> to vector<16xf32>
      %add3A_85 = arith.addf %add3A_79, %get3A_84 : vector<16xf32>
      %get3A_86 = arith.constant 13 : i32
      %get3A_87 = arith.index_cast %get3A_86 : i32 to index
      %get3A_88 = arith.constant 0 : index
      %get3A_89 = tpu.vector_load %arg13[%get3A_87, %get3A_88] {strides = array<i32>} : memref<16x16xf32, #tpu.memory_space<vmem>>, vector<1x16xf32>,
      %get3A_90 = vector.shape_cast %get3A_89 : vector<1x16xf32> to vector<16xf32>
      %add3A_91 = arith.addf %add3A_85, %get3A_90 : vector<16xf32>
      %get3A_92 = arith.constant 14 : i32
      %get3A_93 = arith.index_cast %get3A_92 : i32 to index
      %get3A_94 = arith.constant 0 : index
      %get3A_95 = tpu.vector_load %arg13[%get3A_93, %get3A_94] {strides = array<i32>} : memref<16x16xf32, #tpu.memory_space<vmem>>, vector<1x16xf32>,
      %get3A_96 = vector.shape_cast %get3A_95 : vector<1x16xf32> to vector<16xf32>
      %add3A_97 = arith.addf %add3A_91, %get3A_96 : vector<16xf32>
      %get3A_98 = arith.constant 15 : i32
      %get3A_99 = arith.index_cast %get3A_98 : i32 to index
      %get3A_100 = arith.constant 0 : index
      %get3A_101 = tpu.vector_load %arg13[%get3A_99, %get3A_100] {strides = array<i32>} : memref<16x16xf32, #tpu.memory_space<vmem>>, vector<1x16xf32>,
      %get3A_102 = vector.shape_cast %get3A_101 : vector<1x16xf32> to vector<16xf32>
      %add3A_103 = arith.addf %add3A_97, %get3A_102 : vector<16xf32>
      %xor3A = arith.constant 8 : i32
      %xor3A_104 = vector.broadcast %xor3A : i32 to vector<16xi32>
      %xor3A_105 = arith.xori %iota3A, %xor3A_104 : vector<16xi32>
      %broadcast_in_dim3A_106 = vector.shape_cast %xor3A_105 : vector<16xi32> to vector<16x1xi32>
      %gather3A = vector.shape_cast %broadcast_in_dim3A_106 : vector<16x1xi32> to vector<16xi32>
      %gather3A_107 = tpu.dynamic_gather %add3A_103[%gather3A] in [0] : vector<16xf32>, vector<16xi32> -> vector<16xf32>
      %add3A_108 = arith.addf %add3A_103, %gather3A_107 : vector<16xf32>
      %xor3A_109 = arith.constant 4 : i32
      %xor3A_110 = vector.broadcast %xor3A_109 : i32 to vector<16xi32>
      %xor3A_111 = arith.xori %iota3A, %xor3A_110 : vector<16xi32>
      %broadcast_in_dim3A_112 = vector.shape_cast %xor3A_111 : vector<16xi32> to vector<16x1xi32>
      %gather3A_113 = vector.shape_cast %broadcast_in_dim3A_112 : vector<16x1xi32> to vector<16xi32>
      %gather3A_114 = tpu.dynamic_gather %add3A_108[%gather3A_113] in [0] : vector<16xf32>, vector<16xi32> -> vector<16xf32>
      %add3A_115 = arith.addf %add3A_108, %gather3A_114 : vector<16xf32>
      %xor3A_116 = arith.constant 2 : i32
      %xor3A_117 = vector.broadcast %xor3A_116 : i32 to vector<16xi32>
      %xor3A_118 = arith.xori %iota3A, %xor3A_117 : vector<16xi32>
      %broadcast_in_dim3A_119 = vector.shape_cast %xor3A_118 : vector<16xi32> to vector<16x1xi32>
      %gather3A_120 = vector.shape_cast %broadcast_in_dim3A_119 : vector<16x1xi32> to vector<16xi32>
      %gather3A_121 = tpu.dynamic_gather %add3A_115[%gather3A_120] in [0] : vector<16xf32>, vector<16xi32> -> vector<16xf32>
      %add3A_122 = arith.addf %add3A_115, %gather3A_121 : vector<16xf32>
      %xor3A_123 = arith.constant 1 : i32
      %xor3A_124 = vector.broadcast %xor3A_123 : i32 to vector<16xi32>
      %xor3A_125 = arith.xori %iota3A, %xor3A_124 : vector<16xi32>
      %broadcast_in_dim3A_126 = vector.shape_cast %xor3A_125 : vector<16xi32> to vector<16x1xi32>
      %gather3A_127 = vector.shape_cast %broadcast_in_dim3A_126 : vector<16x1xi32> to vector<16xi32>
      %gather3A_128 = tpu.dynamic_gather %add3A_122[%gather3A_127] in [0] : vector<16xf32>, vector<16xi32> -> vector<16xf32>
      %add3A_129 = arith.addf %add3A_122, %gather3A_128 : vector<16xf32>
      %swap3A = arith.constant 0 : index
      %swap3A_130 = tpu.vector_load %arg12[%swap3A] {strides = array<i32>} : memref<16xf32, #tpu.memory_space<vmem>>, vector<16xf32>,
      %swap3A_131 = vector.shape_cast %swap3A_130 : vector<16xf32> to vector<16xf32>
      %swap3A_132 = vector.shape_cast %add3A_129 : vector<16xf32> to vector<16xf32>
      tpu.vector_store %arg12[%swap3A], %swap3A_132 {strides = array<i32>} : memref<16xf32, #tpu.memory_space<vmem>>, vector<16xf32>,
      "tpu.region"() ({
        %run_scoped3A = tpu.sem_alloc : memref<!tpu.dma_semaphore, #tpu.memory_space<semaphore_mem>>
        tpu.enqueue_dma source(%arg12 : memref<16xf32, #tpu.memory_space<vmem>>) target(%arg6 : memref<16xf32, #tpu.memory_space<hbm>>) target_semaphore(%run_scoped3A : memref<!tpu.dma_semaphore, #tpu.memory_space<semaphore_mem>>)
        tpu.wait_dma2 semaphore(%run_scoped3A : memref<!tpu.dma_semaphore, #tpu.memory_space<semaphore_mem>>) src(%arg12 : memref<16xf32, #tpu.memory_space<vmem>>) dst(%arg6 : memref<16xf32, #tpu.memory_space<hbm>>)
        tpu.yield
      }) : () -> ()
    } else {
    }
    return
  }
}

</mosaic_0001>

<sc_bundles>
// kernel: kernel.3.cloned.1.call-start
scs
__scs_entry_jumppad:
0x0: {  	(pc) =	sbr.rel $0x88, $3  }
0x1: {  	(tag) =	ssettag $0x0;
	lr =	simm.s32 $0x1  }
0x2: {  	[smem:$0x3F9F] =	sst lr;
	_ =	strace $0xD0000000  }
0x3: {  	_ = 	snop  }
0x4: {  	_ = 	snop  }
0x5: {  	_ = 	snop  }
0x6: {  	_ = 	snop  }
0x7: {  	_ = 	snop  }
__scs_overlays_trampoline_lowered:
0x8: {  	[smem:$0x3FAE] =	sst s0  }
0x9: {  	[smem:$0x3FAF] =	sst s1  }
0xa: {  	[smem:$0x3FB0] =	sst s2  }
0xb: {  	[smem:$0x3FB1] =	sst s3  }
0xc: {  	[smem:$0x3FB2] =	sst s4  }
0xd: {  	[smem:$0x3FB3] =	sst s5  }
0xe: {  	[smem:$0x3FB4] =	sst s6  }
0xf: {  	[smem:$0x3FB5] =	sst s7  }
0x10: {  	[smem:$0x3FB6] =	sst s8  }
0x11: {  	[smem:$0x3FB7] =	sst s9;
	s0 =	simm.s32 @!p0 $0x0  }
0x12: {  	s1 =	sld [smem:$0x3F9D];
	s0 =	simm.s32 @p0 $0x1  }
0x13: {  	[smem:$0x3FB8] =	sst s0;
	s0 =	simm.s32 @!p1 $0x0  }
0x14: {  	s2 =	sld [smem:$0x3F9C];
	s0 =	simm.s32 @p1 $0x1  }
0x15: {  	[smem:$0x3FB9] =	sst s0;
	s0 =	simm.s32 @!p2 $0x0  }
0x16: {  	s3 =	sld [smem:$0x3FDB];
	s0 =	simm.s32 @p2 $0x1  }
0x17: {  	s4 =	simm.s32 $0x1BF5;
	[smem:$0x3FBB] =	sst s0  }
0x18: {  	s0 =	sld [smem:$0x3F9E];
	_ =	swait.ge [sflag:s4], $0x0  }
0x19: {  	s7 =	sld [smem:$0x3F9F]  }
0x1a: {  	s8 =	sadd.s32 $0xFFFFE003, lr  }
0x1b: {  	s9 =	sadd.s32 $0xFFFFFEF7, lr;
	s5 =	simm.s32 $0xFFFFFFFF;
	p2 =	slt.u32 s8, $0xFFFFF086  }
0x1c: {  	p1 =	slt.u32 s9, $0xF7A;
	s5 =	simm.s32 @!p2 $0x0  }
0x1d: {  	s5 =	simm.s32 @p1 $0x1;
	p0 =	seq.s32 s7, s2  }
0x1e: {  	s7 =	smul.u32 @!p0 $0xF7A, s2;
	p2 =	seq.s32 @!p0 s5, $0x0  }
0x1f: {  	s9 =	smul.u32 $0xF7A, s1;
	s8 =	simm.s32 @!p0 $0x1BF5;
	p2 =	por !p2, p0  }
0x20: {  	[sflag:s8] =	ssyncset.s32 @!p0 $0xFFFFF086;
	s6 =	sadd.s32 @!p0 s3, s7;
	s7 =	simm.s32 @!p0 $0x108  }
0x21: {  	s3 =	sadd.s32 s3, s9;
	s6 =	sadd.s32 @!p0 $0x88, s6;
	s7 =	simm.s32 @p2 $0x1082  }
0x22: {  	[simem:s7], [sflag:s8] =	dma.local @!p0 [hbm:s6], $0xF7A  }
0x23: {  	s9 =	sor.u32 $0xD0000000, s2;
	s6 =	simm.s32 $0x108;
	_ =	swait.ge @!p0 [sflag:s8], $0x0  }
0x24: {  	s3 =	sadd.s32 $0x88, s3;
	s6 =	simm.s32 @!p1 $0x1082;
	[sflag:s4] =	ssyncset.s32 $0xFFFFF086  }
0x25: {  	[simem:s6], [sflag:s4] =	dma.local [hbm:s3], $0xF7A  }
0x26: {  	[smem:$0x3F9F] =	sst s1;
	(tag) =	ssettag s2;
	_ =	strace s9  }
0x27: {  	s1 =	sld [smem:$0x3FAF]  }
0x28: {  	s2 =	sld [smem:$0x3FB0]  }
0x29: {  	s4 =	sld [smem:$0x3FB2]  }
0x2a: {  	p0 =	seq.s32 s5, $0x0;
	s5 =	sld [smem:$0x3FB3]  }
0x2b: {  	s6 =	sld [smem:$0x3FB4]  }
0x2c: {  	s7 =	sld [smem:$0x3FB5]  }
0x2d: {  	s3 =	simm.s32 $0x108;
	s8 =	sld [smem:$0x3FB6]  }
0x2e: {  	s3 =	simm.s32 @!p0 $0x1082;
	s9 =	sld [smem:$0x3FB7]  }
0x2f: {  	lr =	sadd.s32 s0, s3;
	s0 =	sld [smem:$0x3FAE]  }
0x30: {  	s3 =	sld [smem:$0x3FB1]  }
0x31: {  	[smem:$0x3FBA] =	sst s10  }
0x32: {  	s10 =	sld [smem:$0x3FB8];
	_ =	sdelay $0x3  }
0x33: {  	p0 =	seq.s32 s10, $0x1;
	s10 =	sld [smem:$0x3FBA];
	_ =	sdelay $0x3  }
0x34: {  	[smem:$0x3FBA] =	sst s10  }
0x35: {  	s10 =	sld [smem:$0x3FB9];
	_ =	sdelay $0x3  }
0x36: {  	p1 =	seq.s32 s10, $0x1;
	s10 =	sld [smem:$0x3FBA];
	_ =	sdelay $0x3  }
0x37: {  	[smem:$0x3FBA] =	sst s10  }
0x38: {  	s10 =	sld [smem:$0x3FBB]  }
0x39: {  	_ = 	snop;
	(pc) =	sbr.ind lr, $3  }
0x3a: {  	_ = 	snop  }
0x3b: {  	_ = 	snop  }
0x3c: {  	p2 =	seq.s32 s10, $0x1;
	s10 =	sld [smem:$0x3FBA]  }
0x3d: {  	_ =	shalt  }
0x3e: {  	_ =	shalt  }
0x3f: {  	_ =	shalt  }
0x40: {  	_ =	shalt  }
0x41: {  	_ =	shalt  }
0x42: {  	_ =	shalt  }
0x43: {  	_ =	shalt  }
0x44: {  	_ =	shalt  }
0x45: {  	_ =	shalt  }
0x46: {  	_ =	shalt  }
0x47: {  	_ =	shalt  }
0x48: {  	_ =	shalt  }
0x49: {  	_ =	shalt  }
0x4a: {  	_ =	shalt  }
0x4b: {  	_ =	shalt  }
0x4c: {  	_ =	shalt  }
0x4d: {  	_ =	shalt  }
0x4e: {  	_ =	shalt  }
0x4f: {  	_ =	shalt  }
0x50: {  	_ =	shalt  }
0x51: {  	_ =	shalt  }
0x52: {  	_ =	shalt  }
0x53: {  	_ =	shalt  }
0x54: {  	_ =	shalt  }
0x55: {  	_ =	shalt  }
0x56: {  	_ =	shalt  }
0x57: {  	_ =	shalt  }
0x58: {  	_ =	shalt  }
0x59: {  	_ =	shalt  }
0x5a: {  	_ =	shalt  }
0x5b: {  	_ =	shalt  }
0x5c: {  	_ =	shalt  }
0x5d: {  	_ =	shalt  }
0x5e: {  	_ =	shalt  }
0x5f: {  	_ =	shalt  }
0x60: {  	_ =	shalt  }
0x61: {  	_ =	shalt  }
0x62: {  	_ =	shalt  }
0x63: {  	_ =	shalt  }
0x64: {  	_ =	shalt  }
0x65: {  	_ =	shalt  }
0x66: {  	_ =	shalt  }
0x67: {  	_ =	shalt  }
0x68: {  	_ =	shalt  }
0x69: {  	_ =	shalt  }
0x6a: {  	_ =	shalt  }
0x6b: {  	_ =	shalt  }
0x6c: {  	_ =	shalt  }
0x6d: {  	_ =	shalt  }
0x6e: {  	_ =	shalt  }
0x6f: {  	_ =	shalt  }
0x70: {  	_ =	shalt  }
0x71: {  	_ =	shalt  }
0x72: {  	_ =	shalt  }
0x73: {  	_ =	shalt  }
0x74: {  	_ =	shalt  }
0x75: {  	_ =	shalt  }
0x76: {  	_ =	shalt  }
0x77: {  	_ =	shalt  }
0x78: {  	_ =	shalt  }
0x79: {  	_ =	shalt  }
0x7a: {  	_ =	shalt  }
0x7b: {  	_ =	shalt  }
0x7c: {  	_ =	shalt  }
0x7d: {  	_ =	shalt  }
0x7e: {  	_ =	shalt  }
0x7f: {  	_ =	shalt  }
0x80: {  	_ =	shalt  }
0x81: {  	_ =	shalt  }
0x82: {  	_ =	shalt  }
0x83: {  	_ =	shalt  }
0x84: {  	_ =	shalt  }
0x85: {  	_ =	shalt  }
0x86: {  	_ =	shalt  }
0x87: {  	_ =	shalt  }
.Lfunc_end0:
.L_simem_size_0:
called_computation_lowered:
.L_overlay_start_0:
0x88: {  	s0 =	sld [smem:$0x3FD9]  }
0x89: {  	s1 =	sld [smem:$0x3FFE];
	_ =	sdelay $0x3  }
0x8a: {  	s0 =	sadd.s32 s1, s0  }
0x8b: {  	[smem:$0x3FC6] =	sst s0  }
0x8c: {  	_ = 	snop  }
0x8d: {  	s0 =	sld [smem:$0x3FC9]  }
0x8e: {  	s16 =	sld [smem:$0x3FC8]  }
0x8f: {  	s2 =	sld [smem:$0x3FD0];
	(tm) =	ssettm $0x1  }
0x90: {  	s3 =	sld [smem:$0x3FFB];
	_ =	sdelay $0x3  }
0x91: {  	_ =	strace s3  }
0x92: {  	s3 =	sld [smem:$0x3FFC];
	_ =	sdelay $0x3  }
0x93: {  	_ =	strace s3  }
0x94: {  	s3 =	sld [smem:$0x3FFD];
	_ =	sdelay $0x3  }
0x95: {  	_ =	strace s3  }
0x96: {  	_ =	strace $0x8FFFFFFF  }
0x97: {  	s17 =	sld [smem:$0x3FDB];
	_ =	sdelay $0x1  }
0x98: {  	s4 =	simm.s32 $_scs_section_size  }
0x99: {  	s5 =	simm.s32 $_size__tile_overlayer_lowered;
	s6 =	simm.s32 $_tile_overlayer_lowered  }
0x9a: {  	s20 =	simm.s32 $0x1BFF;
	s19 =	sshll.u32 s6, $0x1;
	s3 =	sadd.s32 s4, s17  }
0x9b: {  	s7 =	simm.s32 $0x0;
	s18 =	sshll.u32 s5, $0x1;
	s5 =	sadd.s32 s19, s3  }
0x9c: {  	[timem:s7], [sflag:s20] =	dma.local [hbm:s5], s18  }
0x9d: {  	_ =	swait.ge [sflag:s20], s18  }
0x9e: {  	s4 =	ssub.s32 $0x0, s18;
	[sflag:s20] =	ssyncset.done $0x0  }
0x9f: {  	[sflag:s20] =	ssyncadd.s32 s4;
	_ =	sdelay $0x1  }
0xa0: {  	s21 =	simm.s32 $0x1B8B  }
0xa1: {  	_ =	swait.ge [sflag:s21], $0x1  }
0xa2: {  	[sflag:s21] =	ssyncset.done $0x0  }
0xa3: {  	s23 =	simm.s32 $0x1B8E;
	s22 =	sld [smem:$0x3FFE];
	[sflag:s21] =	ssyncadd.s32 $0xFFFFFFFF  }
0xa4: {  	s24 =	simm.s32 $execute0_lowered;
	[smem:$0x3FD2] =	sst s23  }
0xa5: {  	s5 =	sshll.u32 s24, $0x1;
	_ =	strace $0x80000046;
	[dreg:$0x1] =	wrdreg $0xFFFFFFFF  }
0xa6: {  	s25 =	simm.s32 $_size_execute0_lowered;
	s3 =	sadd.s32 s3, s5;
	[dreg:$0x0] =	wrdreg $0x0  }
0xa7: {  	s5 =	sshll.u32 s25, $0x1;
	[dreg:$0x2] =	wrdreg s3  }
0xa8: {  	[dreg:$0x3] =	wrdreg s5  }
0xa9: {  	[dreg:$0x4] =	wrdreg $0xC0  }
0xaa: {  	_ =	task [dreg:s7], $0x5FFFF  }
0xab: {  	[dreg:$0x1] =	wrdreg $0xFFFFFFFF  }
0xac: {  	[dreg:$0x0] =	wrdreg $0x60  }
0xad: {  	[dreg:$0x2] =	wrdreg s0  }
0xae: {  	[dreg:$0x3] =	wrdreg s16  }
0xaf: {  	[dreg:$0x4] =	wrdreg s22  }
0xb0: {  	[dreg:$0x5] =	wrdreg s2  }
0xb1: {  	[dreg:$0x6] =	wrdreg $0x9  }
0xb2: {  	_ =	task.clear_ibuf [dreg:s7], $0x7FFFF;
	_ =	strace $0x90000046  }
0xb3: {  	s26 =	simm.s32 $0x9;
	_ =	strace $0x80000048  }
0xb4: {  	_ =	swait.ge [sflag:s26], $0x1  }
0xb5: {  	[sflag:s26] =	ssyncadd.s32 $0xFFFFFFFF  }
0xb6: {  	_ =	strace $0x90000048  }
0xb7: {  	_ =	sfence  }
0xb8: {  	s28 =	sld [smem:$0x0];
	_ =	sdelay $0x1  }
0xb9: {  	s29 =	srdreg.scid  }
0xba: {  	s30 =	sshll.u32 s29, $0xD;
	s31 =	sshrl.u32 s29, $0x2  }
0xbb: {  	s1 =	sand.u32 $0x1, s29;
	s2 =	sand.u32 $0x4000, s30;
	s0 =	sadd.s32 s31, s28  }
0xbc: {  	s1 =	sor.u32 s2, s1;
	s0 =	sshll.u32 s0, $0x11  }
0xbd: {  	s0 =	sor.u32 s0, s1  }
0xbe: {  	s0 =	sadd.s32 $0x8F2B, s0  }
0xbf: {  	[sflag:s0] =	ssyncadd.remote.s32 $0x1  }
0xc0: {  	_ =	sfence.sel $0xFFFF  }
0xc1: {  	[dreg:$0x0] =	wrdreg $0xFFFFFFFF;
	(pc) =	sbr.abs _section_cstart, $3  }
0xc2: {  	[dreg:$0x1] =	wrdreg $0xFFFFFFFF  }
0xc3: {  	_ =	task.clear_ibuf [dreg:s7], $0x2FFFF;
	_ =	strace $0x9FFFFFFF  }
0xc4: {  	(tm) =	ssettm $0x7FFFFFFF  }
0xc5: {  	_ =	shalt  }
tec
execute0_lowered:
.L_overlay_start_1:
0x0: {  	(tag) =	ssettag $0x1  }
0x1: {  	s6 =	rddreg [dreg:$0x0]  }
0x2: {  	s7 =	rddreg [dreg:$0x1]  }
0x3: {  	s4 =	rddreg [dreg:$0x2]  }
0x4: {  	s1 =	rddreg [dreg:$0x3];
	s2 =	stileid.u32  }
0x5: {  	s0 =	rddreg [dreg:$0x4];
	s5 =	simm.s32 $0x0;
	s3 =	sshll.u32 s2, $0x4  }
0x6: {  	[smem:$0x7FF] =	sst s5;
	s8 =	sadd.s32 s3, s4  }
0x7: {  	s10 =	smul.u32 $0x3000, s2;
	_ =	strace $0x80000047;
	s9 =	sadd.s32 $0xA00, s8  }
0x8: {  	[tilespmem:s5], [sflag:$0x1] =	stream.linear.gather [hbm4b:s9+s5], $0x80, $0x38;
	[tilespmem:$0x2480] =	vst v63  }
0x9: {  	s17 =	simm.s32 $0x400;
	s16 =	sadd.s32 s6, s10;
	s6 =	simm.s32 $0x80  }
0xa: {  	[tilespmem:s6], [sflag:$0x2] =	stream.strided.gather [hbm4b:s16+s6], $0x300, s17, s6, $0x38;
	[tilespmem:$0x2480] =	vst v63  }
0xb: {  	s18 =	simm.s32 $0x1B80;
	s19 =	simm.s32 $0x1;
	s8 =	sadd.s32 $0x800, s8  }
0xc: {  	[tilespmem:s18], [sflag:$0x3] =	stream.linear.gather [hbm4b:s8+s5], $0x80, $0x38;
	[tilespmem:$0x2480] =	vst v63  }
0xd: {  	_ =	swait.ge [sflag:s19], $0x80  }
0xe: {  	[sflag:s19] =	ssyncset.done $0x0  }
0xf: {  	[sflag:s19] =	ssyncadd.s32 $0xFFFFFF80  }
0x10: {  	v0 =	vld.msk [tilespmem:$0x0], $0xff;
	_ =	sdelay $0x4  }
0x11: {  	v1 =	vshrl.u32 v0, $0x3  }
0x12: {  	v1 =	vmul.u32 $0x30, v1  }
0x13: {  	v2 =	vlaneseq.u32;
	v0 =	vand.u32 $0x7, v0  }
0x14: {  	v0 =	vor.u32 v0, v1;
	v1 =	vand.u32 $0x7, v2;
	v2 =	vshrl.u32 v2, $0x3  }
0x15: {  	v0 =	vperm.xlane v0, v1;
	v1 =	vmul.u32 $0x8, v2;
	_ =	sdelay $0x1  }
0x16: {  	v0 =	vadd.s32 v1, v0;
	_ =	sdelay $0x3  }
0x17: {  	vm0 =	vmmov $0xffff;
	s20 =	simm.s32 $0x380  }
0x18: {  	[tilespmem:s20], [sflag:$0x4] =	stream.indirect_vreg.gather [hbm4b:s7+s5], $0x80, v0, vm0, $0xb8;
	[tilespmem:$0x2480] =	vst v63  }
0x19: {  	s22 =	simm.s32 $0xB80;
	s21 =	sadd.s32 $0x100, s7  }
0x1a: {  	[tilespmem:s22], [sflag:$0x4] =	stream.indirect_vreg.gather [hbm4b:s21+s5], $0x80, v0, vm0, $0xb8;
	[tilespmem:$0x2480] =	vst v63  }
0x1b: {  	s23 =	simm.s32 $0x1380;
	s24 =	simm.s32 $0x2;
	s7 =	sadd.s32 $0x200, s7  }
0x1c: {  	[tilespmem:s23], [sflag:$0x4] =	stream.indirect_vreg.gather [hbm4b:s7+s5], $0x80, v0, vm0, $0xb8;
	[tilespmem:$0x2480] =	vst v63  }
0x1d: {  	_ =	swait.ge [sflag:s24], $0x300  }
0x1e: {  	[sflag:s24] =	ssyncset.done $0x0  }
0x1f: {  	s25 =	simm.s32 $0x4;
	[sflag:s24] =	ssyncadd.s32 $0xFFFFFD00  }
0x20: {  	_ =	swait.ge [sflag:s25], $0x1800  }
0x21: {  	[sflag:s25] =	ssyncset.done $0x0  }
0x22: {  	s26 =	simm.s32 $0x3;
	[sflag:s25] =	ssyncadd.s32 $0xFFFFE800  }
0x23: {  	_ =	swait.ge [sflag:s26], $0x80  }
0x24: {  	s28 =	sand.u32 $0x60, s5;
	[sflag:s26] =	ssyncset.done $0x0  }
0x25: {  	s30 =	sand.u32 $0x380, s5;
	s29 =	sor.u32 $0x10, s28;
	[sflag:s26] =	ssyncadd.s32 $0xFFFFFF80  }
0x26: {  	s31 =	sand.u32 $0x1C00, s5;
	s11 =	sor.u32 s5, s5;
	s9 =	sor.u32 s29, s30;
	v2 =	vld [tilespmem:s6+$0x0]  }
0x27: {  	s11 =	sor.u32 $0x380, s11;
	s10 =	sor.u32 $0x380, s31;
	v3 =	vld [tilespmem:s9+$0x80]  }
0x28: {  	s9 =	sor.u32 s29, s10;
	v10 =	vld [tilespmem:s11+$0x380]  }
0x29: {  	v11 =	vld [tilespmem:s9+$0x0]  }
0x2a: {  	v12 =	vld [tilespmem:s9+$0x80]  }
0x2b: {  	v13 =	vld [tilespmem:s9+$0x100]  }
0x2c: {  	v14 =	vld [tilespmem:s9+$0x180]  }
0x2d: {  	s10 =	sor.u32 s28, s10;
	v18 =	vld [tilespmem:s9+$0x200]  }
0x2e: {  	v15 =	vld [tilespmem:s10+$0x0]  }
0x2f: {  	v8 =	vimm.f32 $0.0e+00;
	v9 =	vimm.f32 $0.0e+00;
	v17 =	vld [tilespmem:s10+$0x80]  }
0x30: {  	v7 =	vimm.f32 $0.0e+00;
	v6 =	vimm.f32 $0.0e+00;
	v4 =	vimm.f32 $0.0e+00;
	s4 =	sadd.s32 $0xC00, s4;
	v16 =	vld [tilespmem:s10+$0x100]  }
0x31: {  	v5 =	vimm.f32 $0.0e+00;
	s8 =	simm.s32 $0x0;
	v1 =	vimm.f32 $0.0e+00;
	v0 =	vimm.f32 $0.0e+00;
	s7 =	simm.s32 $0x20;
	s11 =	sand.u32 $0x3, s5;
	v19 =	vld [tilespmem:s10+$0x180]  }
.LBB2_1:
0x32: {  	p0 =	sne.s32 s7, $0x2E0;
	s11 =	sshll.u32 s11, $0x5;
	v11 =	vmul.f32 v11, v3;
	v20 =	vld [tilespmem:s9+$0x280];
	v21 =	vmul.f32 v10, v2  }
0x33: {  	v10 =	vmul.f32 v12, v3;
	v12 =	vmul.f32 v13, v3;
	v13 =	vld [tilespmem:s10+$0x200];
	s9 =	sadd.s32 s11, s5  }
0x34: {  	v14 =	vmul.f32 v14, v3;
	v18 =	vmul.f32 v18, v3;
	v22 =	vld [tilespmem:s10+$0x280];
	s10 =	sor.u32 $0x300, s9;
	s9 =	sadd.s32 $0x10, s9  }
0x35: {  	v15 =	vmul.f32 v15, v2;
	v17 =	vmul.f32 v17, v2;
	v23 =	vld [tilespmem:s10+$0x380];
	s10 =	sor.u32 $0x300, s9  }
0x36: {  	s11 =	sand.u32 $0x60, s7;
	s5 =	sadd.s32 $0x100, s5;
	v16 =	vmul.f32 v16, v2;
	s9 =	sor.u32 $0x380, s9;
	v19 =	vmul.f32 v19, v2;
	v24 =	vld [tilespmem:s10+$0x380]  }
0x37: {  	s12 =	sand.u32 $0x380, s7;
	s6 =	sadd.s32 $0x20, s6;
	v8 =	vadd.f32 v15, v8;
	s10 =	sor.u32 $0x10, s11;
	v9 =	vadd.f32 v17, v9;
	v15 =	vmul.f32 v20, v3;
	v17 =	vld [tilespmem:s9+$0x380]  }
0x38: {  	s13 =	sor.u32 s5, s7;
	s9 =	sor.u32 s10, s12;
	s12 =	sand.u32 $0x1C00, s5;
	v1 =	vadd.f32 v16, v1;
	v20 =	vld [tilespmem:s6+$0x0];
	v0 =	vadd.f32 v19, v0;
	v13 =	vmul.f32 v13, v2  }
0x39: {  	s13 =	sor.u32 $0x380, s13;
	v8 =	vadd.f32 v11, v8;
	s12 =	sor.u32 $0x380, s12;
	v9 =	vadd.f32 v10, v9;
	v16 =	vld [tilespmem:s9+$0x80];
	v19 =	vmul.f32 v22, v2  }
0x3a: {  	s9 =	sor.u32 s10, s12;
	v1 =	vadd.f32 v12, v1;
	v10 =	vld [tilespmem:s13+$0x380];
	v0 =	vadd.f32 v14, v0;
	v14 =	vmul.f32 v23, v2  }
0x3b: {  	v7 =	vadd.f32 v13, v7;
	v11 =	vld [tilespmem:s9+$0x0];
	v6 =	vadd.f32 v19, v6;
	v19 =	vmul.f32 v24, v3  }
0x3c: {  	v5 =	vadd.f32 v21, v5;
	v12 =	vld [tilespmem:s9+$0x80];
	v4 =	vadd.f32 v14, v4;
	v17 =	vmul.f32 v17, v3  }
0x3d: {  	v7 =	vadd.f32 v18, v7;
	v13 =	vld [tilespmem:s9+$0x100];
	v6 =	vadd.f32 v15, v6;
	v2 =	vmov v20  }
0x3e: {  	v14 =	vld [tilespmem:s9+$0x180];
	v4 =	vadd.f32 v19, v4;
	v5 =	vadd.f32 v17, v5;
	v3 =	vmov v16  }
.Ltmp0:
0x3f: {  	s10 =	sor.u32 s11, s12;
	v18 =	vld [tilespmem:s9+$0x200];
	(pc) =	sbr.rel @p0 .LBB2_1-.Ltmp0, $4  }
0x40: {  	v15 =	vld [tilespmem:s10+$0x0]  }
0x41: {  	v17 =	vld [tilespmem:s10+$0x80]  }
0x42: {  	s8 =	sadd.s32 $0x1, s8;
	v16 =	vld [tilespmem:s10+$0x100]  }
0x43: {  	s7 =	sadd.s32 $0x20, s7;
	s11 =	sand.u32 $0x3, s8;
	v19 =	vld [tilespmem:s10+$0x180]  }
0x44: {  	v11 =	vmul.f32 v11, v3;
	v10 =	vmul.f32 v10, v2  }
0x45: {  	v12 =	vmul.f32 v12, v3;
	v13 =	vmul.f32 v13, v3  }
0x46: {  	v14 =	vmul.f32 v14, v3;
	v18 =	vmul.f32 v18, v3  }
0x47: {  	v45 =	vimm.s32 $0xFEDCBA98;
	v46 =	vimm.s32 $0x76543210;
	v51 =	vimm.s32 $0xBA98FEDC  }
0x48: {  	v52 =	vimm.s32 $0x32107654;
	v57 =	vimm.s32 $0xDCFE98BA;
	v58 =	vimm.s32 $0x54761032  }
0x49: {  	v20 =	vld [tilespmem:s9+$0x280];
	v63 =	vimm.s32 $0xEFCDAB89;
	v24 =	vimm.s32 $0x67452301;
	vm0 =	vmmov $0x1  }
0x4a: {  	v21 =	vld [tilespmem:s10+$0x200];
	vm8 =	vcmask $0x320;
	vm9 =	vcmask $0x720;
	vm10 =	vcmask $0xB20  }
0x4b: {  	v15 =	vmul.f32 v15, v2;
	v47 =	vunpack.c.l.s4.s8 v46;
	v26 =	vunpack.c.l.s4.s8 v63  }
0x4c: {  	v22 =	vld [tilespmem:s10+$0x280];
	v27 =	vunpack.c.l.s4.s8 v24;
	v17 =	vmul.f32 v17, v2;
	v5 =	vadd.f32 v10, v5  }
0x4d: {  	s6 =	sshll.u32 s11, $0x5;
	v16 =	vmul.f32 v16, v2;
	v8 =	vadd.f32 v15, v8;
	v15 =	vunpack.c.l.s4.s8 v45  }
0x4e: {  	s5 =	sadd.s32 s6, s5;
	v50 =	vunpack.c.0.s8.s32 v47;
	v19 =	vmul.f32 v19, v2;
	v9 =	vadd.f32 v17, v9  }
0x4f: {  	s6 =	sor.u32 $0x300, s5;
	s5 =	sadd.s32 $0x10, s5;
	v20 =	vmul.f32 v20, v3;
	v1 =	vadd.f32 v16, v1;
	v49 =	vmul.f32 v21, v2  }
0x50: {  	v23 =	vld [tilespmem:s6+$0x380];
	s30 =	sor.u32 $0x300, s5;
	v16 =	vunpack.c.l.s4.s8 v51;
	v21 =	vunpack.c.l.s4.s8 v52;
	v8 =	vadd.f32 v11, v8  }
0x51: {  	s5 =	sor.u32 $0x380, s5;
	v62 =	vld [tilespmem:s30+$0x380];
	v53 =	vmul.f32 v22, v2;
	v48 =	vadd.f32 v19, v0;
	v0 =	vunpack.c.0.s8.s32 v15  }
0x52: {  	v30 =	vld [tilespmem:s5+$0x380];
	v9 =	vadd.f32 v12, v9;
	v12 =	vunpack.c.l.s4.s8 v57;
	v15 =	vunpack.c.l.s4.s8 v58  }
0x53: {  	v54 =	vunpack.c.0.s8.s32 v16;
	v55 =	vunpack.c.0.s8.s32 v21;
	v13 =	vadd.f32 v13, v1  }
0x54: {  	v7 =	vadd.f32 v49, v7;
	v6 =	vadd.f32 v53, v6;
	v0 =	vand.u32 $0xF, v0  }
0x55: {  	v14 =	vadd.f32 v14, v48;
	v59 =	vmul.f32 v23, v2;
	v12 =	vunpack.c.0.s8.s32 v12  }
0x56: {  	v15 =	vunpack.c.0.s8.s32 v15;
	v0 =	vcombine.low v0, v50;
	v1 =	vcombine.low v55, v54  }
0x57: {  	v32 =	vmul.f32 v62, v3;
	v7 =	vadd.f32 v18, v7;
	v3 =	vmul.f32 v30, v3  }
0x58: {  	v6 =	vadd.f32 v20, v6;
	v16 =	vadd.f32 v59, v4;
	v56 =	vperm.xlane v8, v0  }
0x59: {  	v60 =	vand.u32 $0xF, v1;
	v2 =	vperm.xlane v9, v0;
	v34 =	vperm.xlane v13, v0  }
0x5a: {  	v3 =	vadd.f32 v3, v5;
	v5 =	vperm.xlane v14, v0;
	v41 =	vperm.xlane v7, v0  }
0x5b: {  	v43 =	vperm.xlane v6, v0;
	v38 =	vadd.f32 v32, v16;
	v8 =	vadd.f32 v56, v8  }
0x5c: {  	v9 =	vadd.f32 v2, v9;
	v2 =	vcombine.low v15, v12;
	v12 =	vunpack.c.0.s8.s32 v26  }
0x5d: {  	v15 =	vunpack.c.0.s8.s32 v27;
	v37 =	vadd.f32 v34, v13;
	v61 =	vperm.xlane v8, v60  }
0x5e: {  	v5 =	vadd.f32 v5, v14;
	v7 =	vadd.f32 v41, v7;
	v28 =	vperm.xlane v9, v60  }
0x5f: {  	v46 =	vperm.xlane v3, v0;
	v45 =	vperm.xlane v38, v0;
	v8 =	vadd.f32 v61, v8  }
0x60: {  	v29 =	vand.u32 $0xF, v2;
	v4 =	vcombine.low v15, v12;
	v9 =	vadd.f32 v28, v9  }
0x61: {  	v6 =	vadd.f32 v43, v6;
	v40 =	vperm.xlane v37, v60;
	v31 =	vperm.xlane v8, v29  }
0x62: {  	vm11 =	vcmask $0xF20;
	v44 =	vperm.xlane v5, v60;
	v33 =	vperm.xlane v9, v29  }
0x63: {  	v47 =	vperm.xlane v7, v60;
	v49 =	vperm.xlane v6, v60;
	v8 =	vadd.f32 v31, v8  }
0x64: {  	v3 =	vadd.f32 v46, v3;
	v35 =	vand.u32 $0xF, v4;
	v9 =	vadd.f32 v33, v9  }
0x65: {  	v12 =	vadd.f32 v45, v38;
	v11 =	vadd.f32 v40, v37;
	v36 =	vperm.xlane v8, v35  }
0x66: {  	v5 =	vadd.f32 v44, v5;
	v7 =	vadd.f32 v47, v7;
	v39 =	vperm.xlane v9, v35  }
0x67: {  	v6 =	vadd.f32 v49, v6;
	v52 =	vperm.xlane v3, v60;
	v8 =	vadd.f32 v36, v8  }
0x68: {  	v51 =	vperm.xlane v12, v60;
	v42 =	vperm.xlane v11, v29;
	v9 =	vadd.f32 v39, v9  }
0x69: {  	v50 =	vperm.xlane v5, v29;
	v53 =	vperm.xlane v7, v29;
	v8 =	vnsel vm0, $0x0, v8  }
0x6a: {  	v12 =	vadd.f32 v51, v12;
	v8 =	vsel vm8, v8, v9;
	v9 =	vadd.f32 v42, v11  }
0x6b: {  	v54 =	vperm.xlane v6, v29;
	v3 =	vadd.f32 v52, v3;
	v5 =	vadd.f32 v50, v5  }
0x6c: {  	v7 =	vadd.f32 v53, v7;
	v56 =	vperm.xlane v12, v29;
	v48 =	vperm.xlane v9, v35  }
0x6d: {  	v6 =	vadd.f32 v54, v6;
	v57 =	vperm.xlane v3, v29;
	v55 =	vperm.xlane v5, v35  }
0x6e: {  	v58 =	vperm.xlane v7, v35;
	v11 =	vadd.f32 v56, v12;
	v9 =	vadd.f32 v48, v9  }
0x6f: {  	v59 =	vperm.xlane v6, v35;
	v3 =	vadd.f32 v57, v3;
	v5 =	vadd.f32 v55, v5  }
0x70: {  	v7 =	vadd.f32 v58, v7;
	v60 =	vperm.xlane v11, v35;
	v8 =	vsel vm9, v8, v9  }
0x71: {  	v61 =	vld [tilespmem:$0x1B80];
	v6 =	vadd.f32 v59, v6;
	v9 =	vperm.xlane v3, v35;
	v5 =	vsel vm10, v8, v5  }
0x72: {  	vm12 =	vcmask $0x1320;
	v5 =	vsel vm11, v5, v7;
	v7 =	vadd.f32 v60, v11  }
0x73: {  	vm13 =	vcmask $0x1720;
	v3 =	vadd.f32 v9, v3;
	v5 =	vsel vm12, v5, v6  }
0x74: {  	vm14 =	vcmask $0x1B20;
	v5 =	vsel vm13, v5, v7  }
0x75: {  	v3 =	vsel vm14, v5, v3  }
0x76: {  	v3 =	vmul.f32 v3, v61;
	_ =	sdelay $0x1  }
0x77: {  	v3 =	vsub.f32 $0.0e+00, v3;
	_ =	sdelay $0x1  }
0x78: {  	v3 =	vmul.f32 $1.442695020e+00, v3;
	_ =	sdelay $0x1  }
0x79: {  	(erf) = vpow2.f32 v3;
	_ =	sdelay $0x8  }
0x7a: {  	v3 =	vpop (erf)  }
0x7b: {  	v3 =	vadd.f32 $1.000000000e+00, v3;
	_ =	sdelay $0x1  }
0x7c: {  	(erf) = vrcp.f32 v3;
	_ =	sdelay $0x8  }
0x7d: {  	v3 =	vpop (erf)  }
0x7e: {  	v3 =	vadd.f32 $1.000000010e-07, v3;
	_ =	sdelay $0x1  }
0x7f: {  	v5 =	vmul.f32 $6.553600000e+04, v3;
	_ =	sdelay $0x1  }
0x80: {  	vm15 =	vlt.f32 v5, $2.000000000e+00  }
0x81: {  	v3 =	vsel vm15, v5, v3  }
0x82: {  	v5 =	vmul.f32 $2.560000000e+02, v3;
	_ =	sdelay $0x1  }
0x83: {  	vm1 =	vlt.f32 v5, $2.000000000e+00  }
0x84: {  	v3 =	vsel vm1, v5, v3  }
0x85: {  	v5 =	vmul.f32 $1.600000000e+01, v3;
	_ =	sdelay $0x1  }
0x86: {  	vm2 =	vlt.f32 v5, $2.000000000e+00  }
0x87: {  	v3 =	vsel vm2, v5, v3  }
0x88: {  	v5 =	vmul.f32 $4.000000000e+00, v3;
	_ =	sdelay $0x1  }
0x89: {  	vm3 =	vlt.f32 v5, $2.000000000e+00  }
0x8a: {  	v3 =	vsel vm3, v5, v3  }
0x8b: {  	v5 =	vadd.f32 v3, v3;
	_ =	sdelay $0x1  }
0x8c: {  	vm4 =	vlt.f32 v5, $2.000000000e+00  }
0x8d: {  	v3 =	vsel vm4, v5, v3  }
0x8e: {  	v5 =	vmul.f32 $5.000000000e-01, v3  }
0x8f: {  	vm5 =	vge.f32 v3, $1.414213540e+00  }
0x90: {  	v3 =	vsel vm5, v5, v3  }
0x91: {  	v5 =	vadd.f32 $1.000000000e+00, v3;
	_ =	sdelay $0x1  }
0x92: {  	(erf) = vrcp.f32 v5;
	_ =	sdelay $0x7  }
0x93: {  	v3 =	vadd.f32 $-1.000000000e+00, v3  }
0x94: {  	v5 =	vpop (erf)  }
0x95: {  	v3 =	vmul.f32 v5, v3;
	_ =	sdelay $0x1  }
0x96: {  	v5 =	vmul.f32 v3, v3  }
0x97: {  	v6 =	vimm.f32 $0.0e+00  }
0x98: {  	v6 =	vsel vm15, $0xC1800000, v6;
	v7 =	vmul.f32 $1.111111120e-01, v5  }
0x99: {  	v62 =	vadd.f32 $-8.000000000e+00, v6  }
0x9a: {  	v7 =	vadd.f32 $1.428571490e-01, v7  }
0x9b: {  	v6 =	vsel vm1, v62, v6  }
0x9c: {  	v8 =	vadd.f32 $-4.000000000e+00, v6;
	v7 =	vmul.f32 v7, v5;
	_ =	sdelay $0x1  }
0x9d: {  	v6 =	vsel vm2, v8, v6;
	v7 =	vadd.f32 $2.000000030e-01, v7  }
0x9e: {  	v8 =	vadd.f32 $-2.000000000e+00, v6  }
0x9f: {  	v7 =	vmul.f32 v7, v5  }
0xa0: {  	v6 =	vsel vm3, v8, v6  }
0xa1: {  	v8 =	vadd.f32 $-1.000000000e+00, v6;
	v7 =	vadd.f32 $3.333333430e-01, v7;
	_ =	sdelay $0x1  }
0xa2: {  	v6 =	vsel vm4, v8, v6;
	v5 =	vmul.f32 v7, v5  }
0xa3: {  	v7 =	vadd.f32 $1.000000000e+00, v6  }
0xa4: {  	v3 =	vadd.f32 v3, v3;
	v5 =	vadd.f32 $1.000000000e+00, v5  }
0xa5: {  	v63 =	vld [tilespmem:$0x1B90];
	v6 =	vsel vm5, v7, v6  }
0xa6: {  	v6 =	vmul.f32 $6.931471820e-01, v6;
	v3 =	vmul.f32 v5, v3;
	_ =	sdelay $0x1  }
0xa7: {  	v3 =	vadd.f32 v3, v6;
	_ =	sdelay $0x1  }
0xa8: {  	v3 =	vmul.f32 v3, v63  }
0xa9: {  	s31 =	sadd.s32 s4, s3  }
0xaa: {  	s3 =	simm.s32 $0x0;
	s6 =	simm.s32 $0x1C00;
	s5 =	simm.s32 $0x5;
	[tilespmem:$0x1C00] =	vst v3  }
0xab: {  	[hbm4b:s31+s3] =	stream.linear.scatter [tilespmem:s6], [sflag:$0x5], $0x80, $0x38;
	[tilespmem:$0x2480] =	vst v63  }
0xac: {  	_ =	swait.ge [sflag:s5], $0x80  }
0xad: {  	[sflag:s5] =	ssyncset.done $0x0  }
0xae: {  	[sflag:s5] =	ssyncadd.s32 $0xFFFFFF80  }
0xaf: {  	p0 =	sne.s32 s2, $0x0;
	[bflag:$0x0] =	sbarrier.arrive $0xFFFF  }
0xb0: {  	_ =	sfence.sel @p0 $0x180000  }
0xb1: {  	[bflag:$0x0] =	sbarrier.arrive @p0 $0xFFFF  }
0xb2: {  	_ =	strace @p0 $0x90000047  }
0xb3: {  	[bflag:$0x2] =	sbarrier.arrive @p0 $0xFFFF  }
0xb4: {  	_ =	shalt @p0  }
.LBB2_3:
0xb5: {  	s2 =	simm.s32 $0x1C80  }
0xb6: {  	[tilespmem:s2], [sflag:$0x5] =	stream.linear.gather [hbm4b:s4+s3], $0x800, $0x38;
	[tilespmem:$0x2480] =	vst v63  }
0xb7: {  	_ =	swait.ge [sflag:s5], $0x800  }
0xb8: {  	[sflag:s5] =	ssyncset.done $0x0  }
0xb9: {  	[sflag:s5] =	ssyncadd.s32 $0xFFFFF800  }
0xba: {  	v3 =	vld [tilespmem:$0x1C80];
	_ =	sdelay $0x1  }
0xbb: {  	v5 =	vld [tilespmem:$0x1D00];
	_ =	sdelay $0x1  }
0xbc: {  	v6 =	vld [tilespmem:$0x1D80]  }
0xbd: {  	v3 =	vadd.f32 $0.0e+00, v3  }
0xbe: {  	v7 =	vld [tilespmem:$0x1E00]  }
0xbf: {  	v3 =	vadd.f32 v5, v3  }
0xc0: {  	v52 =	vld [tilespmem:$0x1E80]  }
0xc1: {  	v3 =	vadd.f32 v6, v3  }
0xc2: {  	v53 =	vld [tilespmem:$0x1F00]  }
0xc3: {  	v3 =	vadd.f32 v7, v3  }
0xc4: {  	v54 =	vld [tilespmem:$0x1F80]  }
0xc5: {  	v3 =	vadd.f32 v52, v3  }
0xc6: {  	v55 =	vld [tilespmem:$0x2000]  }
0xc7: {  	v3 =	vadd.f32 v53, v3  }
0xc8: {  	v56 =	vld [tilespmem:$0x2080]  }
0xc9: {  	v3 =	vadd.f32 v54, v3  }
0xca: {  	v57 =	vld [tilespmem:$0x2100]  }
0xcb: {  	v3 =	vadd.f32 v55, v3  }
0xcc: {  	v58 =	vld [tilespmem:$0x2180]  }
0xcd: {  	v3 =	vadd.f32 v56, v3  }
0xce: {  	v59 =	vld [tilespmem:$0x2200]  }
0xcf: {  	v3 =	vadd.f32 v57, v3  }
0xd0: {  	v60 =	vld [tilespmem:$0x2280]  }
0xd1: {  	v3 =	vadd.f32 v58, v3  }
0xd2: {  	v61 =	vld [tilespmem:$0x2300]  }
0xd3: {  	v3 =	vadd.f32 v59, v3  }
0xd4: {  	v62 =	vld [tilespmem:$0x2380]  }
0xd5: {  	v3 =	vadd.f32 v60, v3  }
0xd6: {  	v63 =	vld [tilespmem:$0x2400]  }
0xd7: {  	v3 =	vadd.f32 v61, v3;
	_ =	sdelay $0x1  }
0xd8: {  	v3 =	vadd.f32 v62, v3;
	_ =	sdelay $0x1  }
0xd9: {  	v3 =	vadd.f32 v63, v3;
	_ =	sdelay $0x1  }
0xda: {  	v0 =	vperm.xlane v3, v0;
	_ =	sdelay $0x1  }
0xdb: {  	v0 =	vadd.f32 v0, v3;
	_ =	sdelay $0x1  }
0xdc: {  	v1 =	vperm.xlane v0, v1;
	_ =	sdelay $0x1  }
0xdd: {  	v0 =	vadd.f32 v1, v0;
	_ =	sdelay $0x1  }
0xde: {  	v1 =	vperm.xlane v0, v2;
	_ =	sdelay $0x1  }
0xdf: {  	v0 =	vadd.f32 v1, v0;
	_ =	sdelay $0x1  }
0xe0: {  	v1 =	vperm.xlane v0, v4;
	_ =	sdelay $0x1  }
0xe1: {  	v0 =	vadd.f32 v1, v0;
	_ =	sdelay $0x1  }
0xe2: {  	[tilespmem:$0x1C00] =	vst v0  }
0xe3: {  	[hbm4b:s1+s3] =	stream.linear.scatter [tilespmem:s6], [sflag:$0x5], $0x80, $0x38;
	[tilespmem:$0x2480] =	vst v63  }
0xe4: {  	_ =	swait.ge [sflag:s5], $0x80  }
0xe5: {  	[sflag:s5] =	ssyncset.done $0x0  }
0xe6: {  	[sflag:s5] =	ssyncadd.s32 $0xFFFFFF80  }
0xe7: {  	_ =	sfence.sel $0x180000  }
0xe8: {  	[bflag:$0x0] =	sbarrier.arrive $0xFFFF  }
0xe9: {  	_ =	strace $0x90000047  }
0xea: {  	s0 =	sadd.s32 $0x100000, s0;
	[bflag:$0x2] =	sbarrier.arrive $0xFFFF  }
0xeb: {  	[sflag:s0] =	ssyncadd.tile.s32 $0x1;
	_ =	shalt  }
.Lfunc_end2:
_tile_overlayer_lowered:
.L_overlay_start_2:
0xec: {  	(tag) =	ssettag $0x2  }
0xed: {  	s0 =	rddreg [dreg:$0x0];
	s2 =	stileid.u32  }
0xee: {  	s1 =	rddreg [dreg:$0x1];
	p0 =	sne.s32 s2, $0x0  }
0xef: {  	s3 =	rddreg [dreg:$0x2];
	[bflag:$0x3] =	sbarrier.arrive $0xFFFF;
	s2 =	simm.s32 @!p0 $0x1C05  }
0xf0: {  	[timem:s3], [sflag:s2] =	dma.local @!p0 [hbm:s0], s1  }
0xf1: {  	s0 =	simm.s32 @!p0 $0x5  }
0xf2: {  	_ =	swait.ge @!p0 [sflag:s0], s1  }
0xf3: {  	s1 =	ssub.s32 @!p0 $0x0, s1;
	[sflag:s0] =	ssyncset.done @!p0 $0x0  }
0xf4: {  	[sflag:s0] =	ssyncadd.s32 @!p0 s1  }
0xf5: {  	[bflag:$0x3] =	sbarrier.arrive $0xFFFF  }
0xf6: {  	_ =	shalt  }

</sc_bundles>
